<compile_context>
chip_gen: v7x
topology: tpu7x:2x2x1
jax: 0.10.2.dev20260603
libtpu: 0.0.44.dev20260713+nightly
codegen_flags: <defaults>
</compile_context>

<pallas_src>
import functools

import jax
import jax.numpy as jnp
from jax import lax
from jax.experimental import pallas as pl
from jax.experimental.pallas import tpu as pltpu
from jax.experimental.pallas import tpu_sc as plsc

_ROWS, _WIDTH = 8192, 2048
_NC, _NS = 2, 16
_NW = _NC * _NS
_ROWS_PER_W = _ROWS // _NW
_CH = 16
_NCHUNK = _ROWS_PER_W // _CH

_mesh = plsc.VectorSubcoreMesh(core_axis_name="c", subcore_axis_name="s")


@functools.partial(
    pl.kernel,
    mesh=_mesh,
    out_type=jax.ShapeDtypeStruct((_ROWS, _WIDTH), jnp.float32),
    scratch_types=[
        pltpu.VMEM((_CH, _WIDTH), jnp.float32),
        pltpu.VMEM((_CH, _WIDTH), jnp.float32),
        pltpu.SemaphoreType.DMA,
        pltpu.SemaphoreType.DMA,
    ],
)
def _sc_copy(src_hbm, dst_hbm, buf0, buf1, rsem, wsem):
    wid = lax.axis_index("s") * _NC + lax.axis_index("c")
    base = wid * _ROWS_PER_W
    bufs = (buf0, buf1)

    def _read(g, buf):
        return pltpu.make_async_copy(
            src_hbm.at[pl.ds(base + g * _CH, _CH)], buf, rsem)

    def _write(g, buf):
        return pltpu.make_async_copy(
            buf, dst_hbm.at[pl.ds(base + g * _CH, _CH)], wsem)

    for g in range(_NCHUNK):
        buf = bufs[g % 2]
        if g >= 2:
            _write(g - 2, buf).wait()
        _read(g, buf).start()
        _read(g, buf).wait()
        _write(g, buf).start()
    _write(_NCHUNK - 2, bufs[_NCHUNK % 2]).wait()
    _write(_NCHUNK - 1, bufs[(_NCHUNK - 1) % 2]).wait()


_BLOCK_ROWS = 1024


def _tc_copy_kernel(src_ref, dst_ref):
    dst_ref[...] = src_ref[...]


def _tc_copy(pos_emb):
    rows, width = pos_emb.shape
    return pl.pallas_call(
        _tc_copy_kernel,
        out_shape=jax.ShapeDtypeStruct(pos_emb.shape, pos_emb.dtype),
        grid=(rows // _BLOCK_ROWS,),
        in_specs=[pl.BlockSpec((_BLOCK_ROWS, width), lambda i: (i, 0))],
        out_specs=pl.BlockSpec((_BLOCK_ROWS, width), lambda i: (i, 0)),
    )(pos_emb)


def kernel(pos_emb):
    return (_tc_copy(pos_emb), _sc_copy(pos_emb))

# --- scband reference (transcript-rebuilt; emitter-appended) ---
"""Pipeline reference for scband-position-embedding-37572373905627 (READ-ONLY COPY).

The authoritative reference and input builder live on the scoring server;
editing this copy changes nothing except your own understanding.
"""

import jax, jax.numpy as jnp
import numpy as np

INPUT_SHAPE = (8192,)
WIDTH = 2048
INIT_SCALE = 1.0

def setup_inputs(seed: int = 0) -> dict:
    key = jax.random.key(seed)
    input_dims = int(np.prod(INPUT_SHAPE))
    # learned parameter: pos_emb of shape [input_dims, width], std = 0.01 * init_scale
    pos_emb = jax.random.normal(key, (input_dims, WIDTH), dtype=jnp.float32) * (0.01 * INIT_SCALE)
    return {"pos_emb": pos_emb}

def reference(pos_emb):
    # pos_init=False branch: forward simply returns the learned positional
    # embedding parameter of shape [input_dims, width].
    return pos_emb

if __name__ == "__main__":
    import jax
    _d = setup_inputs()
    print(jax.jit(kernel)(*tuple(_d.values())))

</pallas_src>

<mosaic_0001>
#map = affine_map<(d0, d1) -> (0, 0)>
module attributes {stable_mosaic.version = 14 : i64} {
  func.func @_sc_copy(%arg0: i32, %arg1: i32, %arg2: memref<8192x2048xf32, #tpu.memory_space<hbm>>, %arg3: memref<8192x2048xf32, #tpu.memory_space<hbm>>, %arg4: memref<16x2048xf32, #tpu.memory_space<vmem>>, %arg5: memref<16x2048xf32, #tpu.memory_space<vmem>>, %arg6: memref<!tpu.dma_semaphore, #tpu.memory_space<semaphore_mem>>, %arg7: memref<!tpu.dma_semaphore, #tpu.memory_space<semaphore_mem>>) attributes {dimension_semantics = [#tpu.dimension_semantics<core_parallel>, #tpu.dimension_semantics<subcore_parallel>], iteration_bounds = array<i64: 2, 16>, scalar_prefetch = 0 : i64, scratch_operands = 4 : i64, tpu.core_type = #tpu.core_type<sc_vector_subcore>, window_params = [{transform_indices = #map}, {transform_indices = #map}]} {
    %mul3A = arith.constant 2 : i32
    %mul3A_0 = arith.muli %arg1, %mul3A : i32
    %add3A = arith.addi %mul3A_0, %arg0 : i32
    %mul3A_1 = arith.constant 256 : i32
    %mul3A_2 = arith.muli %add3A, %mul3A_1 : i32
    %add3A_3 = arith.constant 0 : i32
    %add3A_4 = arith.addi %mul3A_2, %add3A_3 : i32
    %dma_start3A = arith.constant 0 : i32
    %dma_start3A_5 = tpu.memref_slice %arg2[%add3A_4, %dma_start3A] : memref<8192x2048xf32, #tpu.memory_space<hbm>> -> memref<16x2048xf32, #tpu.memory_space<hbm>>
    %dma_start3A_6 = arith.constant 0 : i32
    %dma_start3A_7 = tpu.memref_slice %arg2[%add3A_4, %dma_start3A_6] : memref<8192x2048xf32, #tpu.memory_space<hbm>> -> memref<16x2048xf32, #tpu.memory_space<hbm>>
    tpu.enqueue_dma source(%dma_start3A_7 : memref<16x2048xf32, #tpu.memory_space<hbm>>) target(%arg4 : memref<16x2048xf32, #tpu.memory_space<vmem>>) target_semaphore(%arg6 : memref<!tpu.dma_semaphore, #tpu.memory_space<semaphore_mem>>)
    %add3A_8 = arith.constant 0 : i32
    %add3A_9 = arith.addi %mul3A_2, %add3A_8 : i32
    %dma_wait3A = arith.constant 0 : i32
    %dma_wait3A_10 = tpu.memref_slice %arg2[%add3A_9, %dma_wait3A] : memref<8192x2048xf32, #tpu.memory_space<hbm>> -> memref<16x2048xf32, #tpu.memory_space<hbm>>
    %dma_wait3A_11 = arith.constant 0 : i32
    %dma_wait3A_12 = tpu.memref_slice %arg2[%add3A_9, %dma_wait3A_11] : memref<8192x2048xf32, #tpu.memory_space<hbm>> -> memref<16x2048xf32, #tpu.memory_space<hbm>>
    tpu.wait_dma2 semaphore(%arg6 : memref<!tpu.dma_semaphore, #tpu.memory_space<semaphore_mem>>) src(%dma_wait3A_12 : memref<16x2048xf32, #tpu.memory_space<hbm>>) dst(%arg4 : memref<16x2048xf32, #tpu.memory_space<vmem>>)
    %add3A_13 = arith.constant 0 : i32
    %add3A_14 = arith.addi %mul3A_2, %add3A_13 : i32
    %dma_start3A_15 = arith.constant 0 : i32
    %dma_start3A_16 = tpu.memref_slice %arg3[%add3A_14, %dma_start3A_15] : memref<8192x2048xf32, #tpu.memory_space<hbm>> -> memref<16x2048xf32, #tpu.memory_space<hbm>>
    %dma_start3A_17 = arith.constant 0 : i32
    %dma_start3A_18 = tpu.memref_slice %arg3[%add3A_14, %dma_start3A_17] : memref<8192x2048xf32, #tpu.memory_space<hbm>> -> memref<16x2048xf32, #tpu.memory_space<hbm>>
    tpu.enqueue_dma source(%arg4 : memref<16x2048xf32, #tpu.memory_space<vmem>>) target(%dma_start3A_18 : memref<16x2048xf32, #tpu.memory_space<hbm>>) target_semaphore(%arg7 : memref<!tpu.dma_semaphore, #tpu.memory_space<semaphore_mem>>)
    %add3A_19 = arith.constant 16 : i32
    %add3A_20 = arith.addi %mul3A_2, %add3A_19 : i32
    %dma_start3A_21 = arith.constant 0 : i32
    %dma_start3A_22 = tpu.memref_slice %arg2[%add3A_20, %dma_start3A_21] : memref<8192x2048xf32, #tpu.memory_space<hbm>> -> memref<16x2048xf32, #tpu.memory_space<hbm>>
    %dma_start3A_23 = arith.constant 0 : i32
    %dma_start3A_24 = tpu.memref_slice %arg2[%add3A_20, %dma_start3A_23] : memref<8192x2048xf32, #tpu.memory_space<hbm>> -> memref<16x2048xf32, #tpu.memory_space<hbm>>
    tpu.enqueue_dma source(%dma_start3A_24 : memref<16x2048xf32, #tpu.memory_space<hbm>>) target(%arg5 : memref<16x2048xf32, #tpu.memory_space<vmem>>) target_semaphore(%arg6 : memref<!tpu.dma_semaphore, #tpu.memory_space<semaphore_mem>>)
    %add3A_25 = arith.constant 16 : i32
    %add3A_26 = arith.addi %mul3A_2, %add3A_25 : i32
    %dma_wait3A_27 = arith.constant 0 : i32
    %dma_wait3A_28 = tpu.memref_slice %arg2[%add3A_26, %dma_wait3A_27] : memref<8192x2048xf32, #tpu.memory_space<hbm>> -> memref<16x2048xf32, #tpu.memory_space<hbm>>
    %dma_wait3A_29 = arith.constant 0 : i32
    %dma_wait3A_30 = tpu.memref_slice %arg2[%add3A_26, %dma_wait3A_29] : memref<8192x2048xf32, #tpu.memory_space<hbm>> -> memref<16x2048xf32, #tpu.memory_space<hbm>>
    tpu.wait_dma2 semaphore(%arg6 : memref<!tpu.dma_semaphore, #tpu.memory_space<semaphore_mem>>) src(%dma_wait3A_30 : memref<16x2048xf32, #tpu.memory_space<hbm>>) dst(%arg5 : memref<16x2048xf32, #tpu.memory_space<vmem>>)
    %add3A_31 = arith.constant 16 : i32
    %add3A_32 = arith.addi %mul3A_2, %add3A_31 : i32
    %dma_start3A_33 = arith.constant 0 : i32
    %dma_start3A_34 = tpu.memref_slice %arg3[%add3A_32, %dma_start3A_33] : memref<8192x2048xf32, #tpu.memory_space<hbm>> -> memref<16x2048xf32, #tpu.memory_space<hbm>>
    %dma_start3A_35 = arith.constant 0 : i32
    %dma_start3A_36 = tpu.memref_slice %arg3[%add3A_32, %dma_start3A_35] : memref<8192x2048xf32, #tpu.memory_space<hbm>> -> memref<16x2048xf32, #tpu.memory_space<hbm>>
    tpu.enqueue_dma source(%arg5 : memref<16x2048xf32, #tpu.memory_space<vmem>>) target(%dma_start3A_36 : memref<16x2048xf32, #tpu.memory_space<hbm>>) target_semaphore(%arg7 : memref<!tpu.dma_semaphore, #tpu.memory_space<semaphore_mem>>)
    %add3A_37 = arith.constant 0 : i32
    %add3A_38 = arith.addi %mul3A_2, %add3A_37 : i32
    %dma_wait3A_39 = arith.constant 0 : i32
    %dma_wait3A_40 = tpu.memref_slice %arg3[%add3A_38, %dma_wait3A_39] : memref<8192x2048xf32, #tpu.memory_space<hbm>> -> memref<16x2048xf32, #tpu.memory_space<hbm>>
    %dma_wait3A_41 = arith.constant 0 : i32
    %dma_wait3A_42 = tpu.memref_slice %arg3[%add3A_38, %dma_wait3A_41] : memref<8192x2048xf32, #tpu.memory_space<hbm>> -> memref<16x2048xf32, #tpu.memory_space<hbm>>
    tpu.wait_dma2 semaphore(%arg7 : memref<!tpu.dma_semaphore, #tpu.memory_space<semaphore_mem>>) src(%arg4 : memref<16x2048xf32, #tpu.memory_space<vmem>>) dst(%dma_wait3A_42 : memref<16x2048xf32, #tpu.memory_space<hbm>>)
    %add3A_43 = arith.constant 32 : i32
    %add3A_44 = arith.addi %mul3A_2, %add3A_43 : i32
    %dma_start3A_45 = arith.constant 0 : i32
    %dma_start3A_46 = tpu.memref_slice %arg2[%add3A_44, %dma_start3A_45] : memref<8192x2048xf32, #tpu.memory_space<hbm>> -> memref<16x2048xf32, #tpu.memory_space<hbm>>
    %dma_start3A_47 = arith.constant 0 : i32
    %dma_start3A_48 = tpu.memref_slice %arg2[%add3A_44, %dma_start3A_47] : memref<8192x2048xf32, #tpu.memory_space<hbm>> -> memref<16x2048xf32, #tpu.memory_space<hbm>>
    tpu.enqueue_dma source(%dma_start3A_48 : memref<16x2048xf32, #tpu.memory_space<hbm>>) target(%arg4 : memref<16x2048xf32, #tpu.memory_space<vmem>>) target_semaphore(%arg6 : memref<!tpu.dma_semaphore, #tpu.memory_space<semaphore_mem>>)
    %add3A_49 = arith.constant 32 : i32
    %add3A_50 = arith.addi %mul3A_2, %add3A_49 : i32
    %dma_wait3A_51 = arith.constant 0 : i32
    %dma_wait3A_52 = tpu.memref_slice %arg2[%add3A_50, %dma_wait3A_51] : memref<8192x2048xf32, #tpu.memory_space<hbm>> -> memref<16x2048xf32, #tpu.memory_space<hbm>>
    %dma_wait3A_53 = arith.constant 0 : i32
    %dma_wait3A_54 = tpu.memref_slice %arg2[%add3A_50, %dma_wait3A_53] : memref<8192x2048xf32, #tpu.memory_space<hbm>> -> memref<16x2048xf32, #tpu.memory_space<hbm>>
    tpu.wait_dma2 semaphore(%arg6 : memref<!tpu.dma_semaphore, #tpu.memory_space<semaphore_mem>>) src(%dma_wait3A_54 : memref<16x2048xf32, #tpu.memory_space<hbm>>) dst(%arg4 : memref<16x2048xf32, #tpu.memory_space<vmem>>)
    %add3A_55 = arith.constant 32 : i32
    %add3A_56 = arith.addi %mul3A_2, %add3A_55 : i32
    %dma_start3A_57 = arith.constant 0 : i32
    %dma_start3A_58 = tpu.memref_slice %arg3[%add3A_56, %dma_start3A_57] : memref<8192x2048xf32, #tpu.memory_space<hbm>> -> memref<16x2048xf32, #tpu.memory_space<hbm>>
    %dma_start3A_59 = arith.constant 0 : i32
    %dma_start3A_60 = tpu.memref_slice %arg3[%add3A_56, %dma_start3A_59] : memref<8192x2048xf32, #tpu.memory_space<hbm>> -> memref<16x2048xf32, #tpu.memory_space<hbm>>
    tpu.enqueue_dma source(%arg4 : memref<16x2048xf32, #tpu.memory_space<vmem>>) target(%dma_start3A_60 : memref<16x2048xf32, #tpu.memory_space<hbm>>) target_semaphore(%arg7 : memref<!tpu.dma_semaphore, #tpu.memory_space<semaphore_mem>>)
    %add3A_61 = arith.constant 16 : i32
    %add3A_62 = arith.addi %mul3A_2, %add3A_61 : i32
    %dma_wait3A_63 = arith.constant 0 : i32
    %dma_wait3A_64 = tpu.memref_slice %arg3[%add3A_62, %dma_wait3A_63] : memref<8192x2048xf32, #tpu.memory_space<hbm>> -> memref<16x2048xf32, #tpu.memory_space<hbm>>
    %dma_wait3A_65 = arith.constant 0 : i32
    %dma_wait3A_66 = tpu.memref_slice %arg3[%add3A_62, %dma_wait3A_65] : memref<8192x2048xf32, #tpu.memory_space<hbm>> -> memref<16x2048xf32, #tpu.memory_space<hbm>>
    tpu.wait_dma2 semaphore(%arg7 : memref<!tpu.dma_semaphore, #tpu.memory_space<semaphore_mem>>) src(%arg5 : memref<16x2048xf32, #tpu.memory_space<vmem>>) dst(%dma_wait3A_66 : memref<16x2048xf32, #tpu.memory_space<hbm>>)
    %add3A_67 = arith.constant 48 : i32
    %add3A_68 = arith.addi %mul3A_2, %add3A_67 : i32
    %dma_start3A_69 = arith.constant 0 : i32
    %dma_start3A_70 = tpu.memref_slice %arg2[%add3A_68, %dma_start3A_69] : memref<8192x2048xf32, #tpu.memory_space<hbm>> -> memref<16x2048xf32, #tpu.memory_space<hbm>>
    %dma_start3A_71 = arith.constant 0 : i32
    %dma_start3A_72 = tpu.memref_slice %arg2[%add3A_68, %dma_start3A_71] : memref<8192x2048xf32, #tpu.memory_space<hbm>> -> memref<16x2048xf32, #tpu.memory_space<hbm>>
    tpu.enqueue_dma source(%dma_start3A_72 : memref<16x2048xf32, #tpu.memory_space<hbm>>) target(%arg5 : memref<16x2048xf32, #tpu.memory_space<vmem>>) target_semaphore(%arg6 : memref<!tpu.dma_semaphore, #tpu.memory_space<semaphore_mem>>)
    %add3A_73 = arith.constant 48 : i32
    %add3A_74 = arith.addi %mul3A_2, %add3A_73 : i32
    %dma_wait3A_75 = arith.constant 0 : i32
    %dma_wait3A_76 = tpu.memref_slice %arg2[%add3A_74, %dma_wait3A_75] : memref<8192x2048xf32, #tpu.memory_space<hbm>> -> memref<16x2048xf32, #tpu.memory_space<hbm>>
    %dma_wait3A_77 = arith.constant 0 : i32
    %dma_wait3A_78 = tpu.memref_slice %arg2[%add3A_74, %dma_wait3A_77] : memref<8192x2048xf32, #tpu.memory_space<hbm>> -> memref<16x2048xf32, #tpu.memory_space<hbm>>
    tpu.wait_dma2 semaphore(%arg6 : memref<!tpu.dma_semaphore, #tpu.memory_space<semaphore_mem>>) src(%dma_wait3A_78 : memref<16x2048xf32, #tpu.memory_space<hbm>>) dst(%arg5 : memref<16x2048xf32, #tpu.memory_space<vmem>>)
    %add3A_79 = arith.constant 48 : i32
    %add3A_80 = arith.addi %mul3A_2, %add3A_79 : i32
    %dma_start3A_81 = arith.constant 0 : i32
    %dma_start3A_82 = tpu.memref_slice %arg3[%add3A_80, %dma_start3A_81] : memref<8192x2048xf32, #tpu.memory_space<hbm>> -> memref<16x2048xf32, #tpu.memory_space<hbm>>
    %dma_start3A_83 = arith.constant 0 : i32
    %dma_start3A_84 = tpu.memref_slice %arg3[%add3A_80, %dma_start3A_83] : memref<8192x2048xf32, #tpu.memory_space<hbm>> -> memref<16x2048xf32, #tpu.memory_space<hbm>>
    tpu.enqueue_dma source(%arg5 : memref<16x2048xf32, #tpu.memory_space<vmem>>) target(%dma_start3A_84 : memref<16x2048xf32, #tpu.memory_space<hbm>>) target_semaphore(%arg7 : memref<!tpu.dma_semaphore, #tpu.memory_space<semaphore_mem>>)
    %add3A_85 = arith.constant 32 : i32
    %add3A_86 = arith.addi %mul3A_2, %add3A_85 : i32
    %dma_wait3A_87 = arith.constant 0 : i32
    %dma_wait3A_88 = tpu.memref_slice %arg3[%add3A_86, %dma_wait3A_87] : memref<8192x2048xf32, #tpu.memory_space<hbm>> -> memref<16x2048xf32, #tpu.memory_space<hbm>>
    %dma_wait3A_89 = arith.constant 0 : i32
    %dma_wait3A_90 = tpu.memref_slice %arg3[%add3A_86, %dma_wait3A_89] : memref<8192x2048xf32, #tpu.memory_space<hbm>> -> memref<16x2048xf32, #tpu.memory_space<hbm>>
    tpu.wait_dma2 semaphore(%arg7 : memref<!tpu.dma_semaphore, #tpu.memory_space<semaphore_mem>>) src(%arg4 : memref<16x2048xf32, #tpu.memory_space<vmem>>) dst(%dma_wait3A_90 : memref<16x2048xf32, #tpu.memory_space<hbm>>)
    %add3A_91 = arith.constant 64 : i32
    %add3A_92 = arith.addi %mul3A_2, %add3A_91 : i32
    %dma_start3A_93 = arith.constant 0 : i32
    %dma_start3A_94 = tpu.memref_slice %arg2[%add3A_92, %dma_start3A_93] : memref<8192x2048xf32, #tpu.memory_space<hbm>> -> memref<16x2048xf32, #tpu.memory_space<hbm>>
    %dma_start3A_95 = arith.constant 0 : i32
    %dma_start3A_96 = tpu.memref_slice %arg2[%add3A_92, %dma_start3A_95] : memref<8192x2048xf32, #tpu.memory_space<hbm>> -> memref<16x2048xf32, #tpu.memory_space<hbm>>
    tpu.enqueue_dma source(%dma_start3A_96 : memref<16x2048xf32, #tpu.memory_space<hbm>>) target(%arg4 : memref<16x2048xf32, #tpu.memory_space<vmem>>) target_semaphore(%arg6 : memref<!tpu.dma_semaphore, #tpu.memory_space<semaphore_mem>>)
    %add3A_97 = arith.constant 64 : i32
    %add3A_98 = arith.addi %mul3A_2, %add3A_97 : i32
    %dma_wait3A_99 = arith.constant 0 : i32
    %dma_wait3A_100 = tpu.memref_slice %arg2[%add3A_98, %dma_wait3A_99] : memref<8192x2048xf32, #tpu.memory_space<hbm>> -> memref<16x2048xf32, #tpu.memory_space<hbm>>
    %dma_wait3A_101 = arith.constant 0 : i32
    %dma_wait3A_102 = tpu.memref_slice %arg2[%add3A_98, %dma_wait3A_101] : memref<8192x2048xf32, #tpu.memory_space<hbm>> -> memref<16x2048xf32, #tpu.memory_space<hbm>>
    tpu.wait_dma2 semaphore(%arg6 : memref<!tpu.dma_semaphore, #tpu.memory_space<semaphore_mem>>) src(%dma_wait3A_102 : memref<16x2048xf32, #tpu.memory_space<hbm>>) dst(%arg4 : memref<16x2048xf32, #tpu.memory_space<vmem>>)
    %add3A_103 = arith.constant 64 : i32
    %add3A_104 = arith.addi %mul3A_2, %add3A_103 : i32
    %dma_start3A_105 = arith.constant 0 : i32
    %dma_start3A_106 = tpu.memref_slice %arg3[%add3A_104, %dma_start3A_105] : memref<8192x2048xf32, #tpu.memory_space<hbm>> -> memref<16x2048xf32, #tpu.memory_space<hbm>>
    %dma_start3A_107 = arith.constant 0 : i32
    %dma_start3A_108 = tpu.memref_slice %arg3[%add3A_104, %dma_start3A_107] : memref<8192x2048xf32, #tpu.memory_space<hbm>> -> memref<16x2048xf32, #tpu.memory_space<hbm>>
    tpu.enqueue_dma source(%arg4 : memref<16x2048xf32, #tpu.memory_space<vmem>>) target(%dma_start3A_108 : memref<16x2048xf32, #tpu.memory_space<hbm>>) target_semaphore(%arg7 : memref<!tpu.dma_semaphore, #tpu.memory_space<semaphore_mem>>)
    %add3A_109 = arith.constant 48 : i32
    %add3A_110 = arith.addi %mul3A_2, %add3A_109 : i32
    %dma_wait3A_111 = arith.constant 0 : i32
    %dma_wait3A_112 = tpu.memref_slice %arg3[%add3A_110, %dma_wait3A_111] : memref<8192x2048xf32, #tpu.memory_space<hbm>> -> memref<16x2048xf32, #tpu.memory_space<hbm>>
    %dma_wait3A_113 = arith.constant 0 : i32
    %dma_wait3A_114 = tpu.memref_slice %arg3[%add3A_110, %dma_wait3A_113] : memref<8192x2048xf32, #tpu.memory_space<hbm>> -> memref<16x2048xf32, #tpu.memory_space<hbm>>
    tpu.wait_dma2 semaphore(%arg7 : memref<!tpu.dma_semaphore, #tpu.memory_space<semaphore_mem>>) src(%arg5 : memref<16x2048xf32, #tpu.memory_space<vmem>>) dst(%dma_wait3A_114 : memref<16x2048xf32, #tpu.memory_space<hbm>>)
    %add3A_115 = arith.constant 80 : i32
    %add3A_116 = arith.addi %mul3A_2, %add3A_115 : i32
    %dma_start3A_117 = arith.constant 0 : i32
    %dma_start3A_118 = tpu.memref_slice %arg2[%add3A_116, %dma_start3A_117] : memref<8192x2048xf32, #tpu.memory_space<hbm>> -> memref<16x2048xf32, #tpu.memory_space<hbm>>
    %dma_start3A_119 = arith.constant 0 : i32
    %dma_start3A_120 = tpu.memref_slice %arg2[%add3A_116, %dma_start3A_119] : memref<8192x2048xf32, #tpu.memory_space<hbm>> -> memref<16x2048xf32, #tpu.memory_space<hbm>>
    tpu.enqueue_dma source(%dma_start3A_120 : memref<16x2048xf32, #tpu.memory_space<hbm>>) target(%arg5 : memref<16x2048xf32, #tpu.memory_space<vmem>>) target_semaphore(%arg6 : memref<!tpu.dma_semaphore, #tpu.memory_space<semaphore_mem>>)
    %add3A_121 = arith.constant 80 : i32
    %add3A_122 = arith.addi %mul3A_2, %add3A_121 : i32
    %dma_wait3A_123 = arith.constant 0 : i32
    %dma_wait3A_124 = tpu.memref_slice %arg2[%add3A_122, %dma_wait3A_123] : memref<8192x2048xf32, #tpu.memory_space<hbm>> -> memref<16x2048xf32, #tpu.memory_space<hbm>>
    %dma_wait3A_125 = arith.constant 0 : i32
    %dma_wait3A_126 = tpu.memref_slice %arg2[%add3A_122, %dma_wait3A_125] : memref<8192x2048xf32, #tpu.memory_space<hbm>> -> memref<16x2048xf32, #tpu.memory_space<hbm>>
    tpu.wait_dma2 semaphore(%arg6 : memref<!tpu.dma_semaphore, #tpu.memory_space<semaphore_mem>>) src(%dma_wait3A_126 : memref<16x2048xf32, #tpu.memory_space<hbm>>) dst(%arg5 : memref<16x2048xf32, #tpu.memory_space<vmem>>)
    %add3A_127 = arith.constant 80 : i32
    %add3A_128 = arith.addi %mul3A_2, %add3A_127 : i32
    %dma_start3A_129 = arith.constant 0 : i32
    %dma_start3A_130 = tpu.memref_slice %arg3[%add3A_128, %dma_start3A_129] : memref<8192x2048xf32, #tpu.memory_space<hbm>> -> memref<16x2048xf32, #tpu.memory_space<hbm>>
    %dma_start3A_131 = arith.constant 0 : i32
    %dma_start3A_132 = tpu.memref_slice %arg3[%add3A_128, %dma_start3A_131] : memref<8192x2048xf32, #tpu.memory_space<hbm>> -> memref<16x2048xf32, #tpu.memory_space<hbm>>
    tpu.enqueue_dma source(%arg5 : memref<16x2048xf32, #tpu.memory_space<vmem>>) target(%dma_start3A_132 : memref<16x2048xf32, #tpu.memory_space<hbm>>) target_semaphore(%arg7 : memref<!tpu.dma_semaphore, #tpu.memory_space<semaphore_mem>>)
    %add3A_133 = arith.constant 64 : i32
    %add3A_134 = arith.addi %mul3A_2, %add3A_133 : i32
    %dma_wait3A_135 = arith.constant 0 : i32
    %dma_wait3A_136 = tpu.memref_slice %arg3[%add3A_134, %dma_wait3A_135] : memref<8192x2048xf32, #tpu.memory_space<hbm>> -> memref<16x2048xf32, #tpu.memory_space<hbm>>
    %dma_wait3A_137 = arith.constant 0 : i32
    %dma_wait3A_138 = tpu.memref_slice %arg3[%add3A_134, %dma_wait3A_137] : memref<8192x2048xf32, #tpu.memory_space<hbm>> -> memref<16x2048xf32, #tpu.memory_space<hbm>>
    tpu.wait_dma2 semaphore(%arg7 : memref<!tpu.dma_semaphore, #tpu.memory_space<semaphore_mem>>) src(%arg4 : memref<16x2048xf32, #tpu.memory_space<vmem>>) dst(%dma_wait3A_138 : memref<16x2048xf32, #tpu.memory_space<hbm>>)
    %add3A_139 = arith.constant 96 : i32
    %add3A_140 = arith.addi %mul3A_2, %add3A_139 : i32
    %dma_start3A_141 = arith.constant 0 : i32
    %dma_start3A_142 = tpu.memref_slice %arg2[%add3A_140, %dma_start3A_141] : memref<8192x2048xf32, #tpu.memory_space<hbm>> -> memref<16x2048xf32, #tpu.memory_space<hbm>>
    %dma_start3A_143 = arith.constant 0 : i32
    %dma_start3A_144 = tpu.memref_slice %arg2[%add3A_140, %dma_start3A_143] : memref<8192x2048xf32, #tpu.memory_space<hbm>> -> memref<16x2048xf32, #tpu.memory_space<hbm>>
    tpu.enqueue_dma source(%dma_start3A_144 : memref<16x2048xf32, #tpu.memory_space<hbm>>) target(%arg4 : memref<16x2048xf32, #tpu.memory_space<vmem>>) target_semaphore(%arg6 : memref<!tpu.dma_semaphore, #tpu.memory_space<semaphore_mem>>)
    %add3A_145 = arith.constant 96 : i32
    %add3A_146 = arith.addi %mul3A_2, %add3A_145 : i32
    %dma_wait3A_147 = arith.constant 0 : i32
    %dma_wait3A_148 = tpu.memref_slice %arg2[%add3A_146, %dma_wait3A_147] : memref<8192x2048xf32, #tpu.memory_space<hbm>> -> memref<16x2048xf32, #tpu.memory_space<hbm>>
    %dma_wait3A_149 = arith.constant 0 : i32
    %dma_wait3A_150 = tpu.memref_slice %arg2[%add3A_146, %dma_wait3A_149] : memref<8192x2048xf32, #tpu.memory_space<hbm>> -> memref<16x2048xf32, #tpu.memory_space<hbm>>
    tpu.wait_dma2 semaphore(%arg6 : memref<!tpu.dma_semaphore, #tpu.memory_space<semaphore_mem>>) src(%dma_wait3A_150 : memref<16x2048xf32, #tpu.memory_space<hbm>>) dst(%arg4 : memref<16x2048xf32, #tpu.memory_space<vmem>>)
    %add3A_151 = arith.constant 96 : i32
    %add3A_152 = arith.addi %mul3A_2, %add3A_151 : i32
    %dma_start3A_153 = arith.constant 0 : i32
    %dma_start3A_154 = tpu.memref_slice %arg3[%add3A_152, %dma_start3A_153] : memref<8192x2048xf32, #tpu.memory_space<hbm>> -> memref<16x2048xf32, #tpu.memory_space<hbm>>
    %dma_start3A_155 = arith.constant 0 : i32
    %dma_start3A_156 = tpu.memref_slice %arg3[%add3A_152, %dma_start3A_155] : memref<8192x2048xf32, #tpu.memory_space<hbm>> -> memref<16x2048xf32, #tpu.memory_space<hbm>>
    tpu.enqueue_dma source(%arg4 : memref<16x2048xf32, #tpu.memory_space<vmem>>) target(%dma_start3A_156 : memref<16x2048xf32, #tpu.memory_space<hbm>>) target_semaphore(%arg7 : memref<!tpu.dma_semaphore, #tpu.memory_space<semaphore_mem>>)
    %add3A_157 = arith.constant 80 : i32
    %add3A_158 = arith.addi %mul3A_2, %add3A_157 : i32
    %dma_wait3A_159 = arith.constant 0 : i32
    %dma_wait3A_160 = tpu.memref_slice %arg3[%add3A_158, %dma_wait3A_159] : memref<8192x2048xf32, #tpu.memory_space<hbm>> -> memref<16x2048xf32, #tpu.memory_space<hbm>>
    %dma_wait3A_161 = arith.constant 0 : i32
    %dma_wait3A_162 = tpu.memref_slice %arg3[%add3A_158, %dma_wait3A_161] : memref<8192x2048xf32, #tpu.memory_space<hbm>> -> memref<16x2048xf32, #tpu.memory_space<hbm>>
    tpu.wait_dma2 semaphore(%arg7 : memref<!tpu.dma_semaphore, #tpu.memory_space<semaphore_mem>>) src(%arg5 : memref<16x2048xf32, #tpu.memory_space<vmem>>) dst(%dma_wait3A_162 : memref<16x2048xf32, #tpu.memory_space<hbm>>)
    %add3A_163 = arith.constant 112 : i32
    %add3A_164 = arith.addi %mul3A_2, %add3A_163 : i32
    %dma_start3A_165 = arith.constant 0 : i32
    %dma_start3A_166 = tpu.memref_slice %arg2[%add3A_164, %dma_start3A_165] : memref<8192x2048xf32, #tpu.memory_space<hbm>> -> memref<16x2048xf32, #tpu.memory_space<hbm>>
    %dma_start3A_167 = arith.constant 0 : i32
    %dma_start3A_168 = tpu.memref_slice %arg2[%add3A_164, %dma_start3A_167] : memref<8192x2048xf32, #tpu.memory_space<hbm>> -> memref<16x2048xf32, #tpu.memory_space<hbm>>
    tpu.enqueue_dma source(%dma_start3A_168 : memref<16x2048xf32, #tpu.memory_space<hbm>>) target(%arg5 : memref<16x2048xf32, #tpu.memory_space<vmem>>) target_semaphore(%arg6 : memref<!tpu.dma_semaphore, #tpu.memory_space<semaphore_mem>>)
    %add3A_169 = arith.constant 112 : i32
    %add3A_170 = arith.addi %mul3A_2, %add3A_169 : i32
    %dma_wait3A_171 = arith.constant 0 : i32
    %dma_wait3A_172 = tpu.memref_slice %arg2[%add3A_170, %dma_wait3A_171] : memref<8192x2048xf32, #tpu.memory_space<hbm>> -> memref<16x2048xf32, #tpu.memory_space<hbm>>
    %dma_wait3A_173 = arith.constant 0 : i32
    %dma_wait3A_174 = tpu.memref_slice %arg2[%add3A_170, %dma_wait3A_173] : memref<8192x2048xf32, #tpu.memory_space<hbm>> -> memref<16x2048xf32, #tpu.memory_space<hbm>>
    tpu.wait_dma2 semaphore(%arg6 : memref<!tpu.dma_semaphore, #tpu.memory_space<semaphore_mem>>) src(%dma_wait3A_174 : memref<16x2048xf32, #tpu.memory_space<hbm>>) dst(%arg5 : memref<16x2048xf32, #tpu.memory_space<vmem>>)
    %add3A_175 = arith.constant 112 : i32
    %add3A_176 = arith.addi %mul3A_2, %add3A_175 : i32
    %dma_start3A_177 = arith.constant 0 : i32
    %dma_start3A_178 = tpu.memref_slice %arg3[%add3A_176, %dma_start3A_177] : memref<8192x2048xf32, #tpu.memory_space<hbm>> -> memref<16x2048xf32, #tpu.memory_space<hbm>>
    %dma_start3A_179 = arith.constant 0 : i32
    %dma_start3A_180 = tpu.memref_slice %arg3[%add3A_176, %dma_start3A_179] : memref<8192x2048xf32, #tpu.memory_space<hbm>> -> memref<16x2048xf32, #tpu.memory_space<hbm>>
    tpu.enqueue_dma source(%arg5 : memref<16x2048xf32, #tpu.memory_space<vmem>>) target(%dma_start3A_180 : memref<16x2048xf32, #tpu.memory_space<hbm>>) target_semaphore(%arg7 : memref<!tpu.dma_semaphore, #tpu.memory_space<semaphore_mem>>)
    %add3A_181 = arith.constant 96 : i32
    %add3A_182 = arith.addi %mul3A_2, %add3A_181 : i32
    %dma_wait3A_183 = arith.constant 0 : i32
    %dma_wait3A_184 = tpu.memref_slice %arg3[%add3A_182, %dma_wait3A_183] : memref<8192x2048xf32, #tpu.memory_space<hbm>> -> memref<16x2048xf32, #tpu.memory_space<hbm>>
    %dma_wait3A_185 = arith.constant 0 : i32
    %dma_wait3A_186 = tpu.memref_slice %arg3[%add3A_182, %dma_wait3A_185] : memref<8192x2048xf32, #tpu.memory_space<hbm>> -> memref<16x2048xf32, #tpu.memory_space<hbm>>
    tpu.wait_dma2 semaphore(%arg7 : memref<!tpu.dma_semaphore, #tpu.memory_space<semaphore_mem>>) src(%arg4 : memref<16x2048xf32, #tpu.memory_space<vmem>>) dst(%dma_wait3A_186 : memref<16x2048xf32, #tpu.memory_space<hbm>>)
    %add3A_187 = arith.constant 128 : i32
    %add3A_188 = arith.addi %mul3A_2, %add3A_187 : i32
    %dma_start3A_189 = arith.constant 0 : i32
    %dma_start3A_190 = tpu.memref_slice %arg2[%add3A_188, %dma_start3A_189] : memref<8192x2048xf32, #tpu.memory_space<hbm>> -> memref<16x2048xf32, #tpu.memory_space<hbm>>
    %dma_start3A_191 = arith.constant 0 : i32
    %dma_start3A_192 = tpu.memref_slice %arg2[%add3A_188, %dma_start3A_191] : memref<8192x2048xf32, #tpu.memory_space<hbm>> -> memref<16x2048xf32, #tpu.memory_space<hbm>>
    tpu.enqueue_dma source(%dma_start3A_192 : memref<16x2048xf32, #tpu.memory_space<hbm>>) target(%arg4 : memref<16x2048xf32, #tpu.memory_space<vmem>>) target_semaphore(%arg6 : memref<!tpu.dma_semaphore, #tpu.memory_space<semaphore_mem>>)
    %add3A_193 = arith.constant 128 : i32
    %add3A_194 = arith.addi %mul3A_2, %add3A_193 : i32
    %dma_wait3A_195 = arith.constant 0 : i32
    %dma_wait3A_196 = tpu.memref_slice %arg2[%add3A_194, %dma_wait3A_195] : memref<8192x2048xf32, #tpu.memory_space<hbm>> -> memref<16x2048xf32, #tpu.memory_space<hbm>>
    %dma_wait3A_197 = arith.constant 0 : i32
    %dma_wait3A_198 = tpu.memref_slice %arg2[%add3A_194, %dma_wait3A_197] : memref<8192x2048xf32, #tpu.memory_space<hbm>> -> memref<16x2048xf32, #tpu.memory_space<hbm>>
    tpu.wait_dma2 semaphore(%arg6 : memref<!tpu.dma_semaphore, #tpu.memory_space<semaphore_mem>>) src(%dma_wait3A_198 : memref<16x2048xf32, #tpu.memory_space<hbm>>) dst(%arg4 : memref<16x2048xf32, #tpu.memory_space<vmem>>)
    %add3A_199 = arith.constant 128 : i32
    %add3A_200 = arith.addi %mul3A_2, %add3A_199 : i32
    %dma_start3A_201 = arith.constant 0 : i32
    %dma_start3A_202 = tpu.memref_slice %arg3[%add3A_200, %dma_start3A_201] : memref<8192x2048xf32, #tpu.memory_space<hbm>> -> memref<16x2048xf32, #tpu.memory_space<hbm>>
    %dma_start3A_203 = arith.constant 0 : i32
    %dma_start3A_204 = tpu.memref_slice %arg3[%add3A_200, %dma_start3A_203] : memref<8192x2048xf32, #tpu.memory_space<hbm>> -> memref<16x2048xf32, #tpu.memory_space<hbm>>
    tpu.enqueue_dma source(%arg4 : memref<16x2048xf32, #tpu.memory_space<vmem>>) target(%dma_start3A_204 : memref<16x2048xf32, #tpu.memory_space<hbm>>) target_semaphore(%arg7 : memref<!tpu.dma_semaphore, #tpu.memory_space<semaphore_mem>>)
    %add3A_205 = arith.constant 112 : i32
    %add3A_206 = arith.addi %mul3A_2, %add3A_205 : i32
    %dma_wait3A_207 = arith.constant 0 : i32
    %dma_wait3A_208 = tpu.memref_slice %arg3[%add3A_206, %dma_wait3A_207] : memref<8192x2048xf32, #tpu.memory_space<hbm>> -> memref<16x2048xf32, #tpu.memory_space<hbm>>
    %dma_wait3A_209 = arith.constant 0 : i32
    %dma_wait3A_210 = tpu.memref_slice %arg3[%add3A_206, %dma_wait3A_209] : memref<8192x2048xf32, #tpu.memory_space<hbm>> -> memref<16x2048xf32, #tpu.memory_space<hbm>>
    tpu.wait_dma2 semaphore(%arg7 : memref<!tpu.dma_semaphore, #tpu.memory_space<semaphore_mem>>) src(%arg5 : memref<16x2048xf32, #tpu.memory_space<vmem>>) dst(%dma_wait3A_210 : memref<16x2048xf32, #tpu.memory_space<hbm>>)
    %add3A_211 = arith.constant 144 : i32
    %add3A_212 = arith.addi %mul3A_2, %add3A_211 : i32
    %dma_start3A_213 = arith.constant 0 : i32
    %dma_start3A_214 = tpu.memref_slice %arg2[%add3A_212, %dma_start3A_213] : memref<8192x2048xf32, #tpu.memory_space<hbm>> -> memref<16x2048xf32, #tpu.memory_space<hbm>>
    %dma_start3A_215 = arith.constant 0 : i32
    %dma_start3A_216 = tpu.memref_slice %arg2[%add3A_212, %dma_start3A_215] : memref<8192x2048xf32, #tpu.memory_space<hbm>> -> memref<16x2048xf32, #tpu.memory_space<hbm>>
    tpu.enqueue_dma source(%dma_start3A_216 : memref<16x2048xf32, #tpu.memory_space<hbm>>) target(%arg5 : memref<16x2048xf32, #tpu.memory_space<vmem>>) target_semaphore(%arg6 : memref<!tpu.dma_semaphore, #tpu.memory_space<semaphore_mem>>)
    %add3A_217 = arith.constant 144 : i32
    %add3A_218 = arith.addi %mul3A_2, %add3A_217 : i32
    %dma_wait3A_219 = arith.constant 0 : i32
    %dma_wait3A_220 = tpu.memref_slice %arg2[%add3A_218, %dma_wait3A_219] : memref<8192x2048xf32, #tpu.memory_space<hbm>> -> memref<16x2048xf32, #tpu.memory_space<hbm>>
    %dma_wait3A_221 = arith.constant 0 : i32
    %dma_wait3A_222 = tpu.memref_slice %arg2[%add3A_218, %dma_wait3A_221] : memref<8192x2048xf32, #tpu.memory_space<hbm>> -> memref<16x2048xf32, #tpu.memory_space<hbm>>
    tpu.wait_dma2 semaphore(%arg6 : memref<!tpu.dma_semaphore, #tpu.memory_space<semaphore_mem>>) src(%dma_wait3A_222 : memref<16x2048xf32, #tpu.memory_space<hbm>>) dst(%arg5 : memref<16x2048xf32, #tpu.memory_space<vmem>>)
    %add3A_223 = arith.constant 144 : i32
    %add3A_224 = arith.addi %mul3A_2, %add3A_223 : i32
    %dma_start3A_225 = arith.constant 0 : i32
    %dma_start3A_226 = tpu.memref_slice %arg3[%add3A_224, %dma_start3A_225] : memref<8192x2048xf32, #tpu.memory_space<hbm>> -> memref<16x2048xf32, #tpu.memory_space<hbm>>
    %dma_start3A_227 = arith.constant 0 : i32
    %dma_start3A_228 = tpu.memref_slice %arg3[%add3A_224, %dma_start3A_227] : memref<8192x2048xf32, #tpu.memory_space<hbm>> -> memref<16x2048xf32, #tpu.memory_space<hbm>>
    tpu.enqueue_dma source(%arg5 : memref<16x2048xf32, #tpu.memory_space<vmem>>) target(%dma_start3A_228 : memref<16x2048xf32, #tpu.memory_space<hbm>>) target_semaphore(%arg7 : memref<!tpu.dma_semaphore, #tpu.memory_space<semaphore_mem>>)
    %add3A_229 = arith.constant 128 : i32
    %add3A_230 = arith.addi %mul3A_2, %add3A_229 : i32
    %dma_wait3A_231 = arith.constant 0 : i32
    %dma_wait3A_232 = tpu.memref_slice %arg3[%add3A_230, %dma_wait3A_231] : memref<8192x2048xf32, #tpu.memory_space<hbm>> -> memref<16x2048xf32, #tpu.memory_space<hbm>>
    %dma_wait3A_233 = arith.constant 0 : i32
    %dma_wait3A_234 = tpu.memref_slice %arg3[%add3A_230, %dma_wait3A_233] : memref<8192x2048xf32, #tpu.memory_space<hbm>> -> memref<16x2048xf32, #tpu.memory_space<hbm>>
    tpu.wait_dma2 semaphore(%arg7 : memref<!tpu.dma_semaphore, #tpu.memory_space<semaphore_mem>>) src(%arg4 : memref<16x2048xf32, #tpu.memory_space<vmem>>) dst(%dma_wait3A_234 : memref<16x2048xf32, #tpu.memory_space<hbm>>)
    %add3A_235 = arith.constant 160 : i32
    %add3A_236 = arith.addi %mul3A_2, %add3A_235 : i32
    %dma_start3A_237 = arith.constant 0 : i32
    %dma_start3A_238 = tpu.memref_slice %arg2[%add3A_236, %dma_start3A_237] : memref<8192x2048xf32, #tpu.memory_space<hbm>> -> memref<16x2048xf32, #tpu.memory_space<hbm>>
    %dma_start3A_239 = arith.constant 0 : i32
    %dma_start3A_240 = tpu.memref_slice %arg2[%add3A_236, %dma_start3A_239] : memref<8192x2048xf32, #tpu.memory_space<hbm>> -> memref<16x2048xf32, #tpu.memory_space<hbm>>
    tpu.enqueue_dma source(%dma_start3A_240 : memref<16x2048xf32, #tpu.memory_space<hbm>>) target(%arg4 : memref<16x2048xf32, #tpu.memory_space<vmem>>) target_semaphore(%arg6 : memref<!tpu.dma_semaphore, #tpu.memory_space<semaphore_mem>>)
    %add3A_241 = arith.constant 160 : i32
    %add3A_242 = arith.addi %mul3A_2, %add3A_241 : i32
    %dma_wait3A_243 = arith.constant 0 : i32
    %dma_wait3A_244 = tpu.memref_slice %arg2[%add3A_242, %dma_wait3A_243] : memref<8192x2048xf32, #tpu.memory_space<hbm>> -> memref<16x2048xf32, #tpu.memory_space<hbm>>
    %dma_wait3A_245 = arith.constant 0 : i32
    %dma_wait3A_246 = tpu.memref_slice %arg2[%add3A_242, %dma_wait3A_245] : memref<8192x2048xf32, #tpu.memory_space<hbm>> -> memref<16x2048xf32, #tpu.memory_space<hbm>>
    tpu.wait_dma2 semaphore(%arg6 : memref<!tpu.dma_semaphore, #tpu.memory_space<semaphore_mem>>) src(%dma_wait3A_246 : memref<16x2048xf32, #tpu.memory_space<hbm>>) dst(%arg4 : memref<16x2048xf32, #tpu.memory_space<vmem>>)
    %add3A_247 = arith.constant 160 : i32
    %add3A_248 = arith.addi %mul3A_2, %add3A_247 : i32
    %dma_start3A_249 = arith.constant 0 : i32
    %dma_start3A_250 = tpu.memref_slice %arg3[%add3A_248, %dma_start3A_249] : memref<8192x2048xf32, #tpu.memory_space<hbm>> -> memref<16x2048xf32, #tpu.memory_space<hbm>>
    %dma_start3A_251 = arith.constant 0 : i32
    %dma_start3A_252 = tpu.memref_slice %arg3[%add3A_248, %dma_start3A_251] : memref<8192x2048xf32, #tpu.memory_space<hbm>> -> memref<16x2048xf32, #tpu.memory_space<hbm>>
    tpu.enqueue_dma source(%arg4 : memref<16x2048xf32, #tpu.memory_space<vmem>>) target(%dma_start3A_252 : memref<16x2048xf32, #tpu.memory_space<hbm>>) target_semaphore(%arg7 : memref<!tpu.dma_semaphore, #tpu.memory_space<semaphore_mem>>)
    %add3A_253 = arith.constant 144 : i32
    %add3A_254 = arith.addi %mul3A_2, %add3A_253 : i32
    %dma_wait3A_255 = arith.constant 0 : i32
    %dma_wait3A_256 = tpu.memref_slice %arg3[%add3A_254, %dma_wait3A_255] : memref<8192x2048xf32, #tpu.memory_space<hbm>> -> memref<16x2048xf32, #tpu.memory_space<hbm>>
    %dma_wait3A_257 = arith.constant 0 : i32
    %dma_wait3A_258 = tpu.memref_slice %arg3[%add3A_254, %dma_wait3A_257] : memref<8192x2048xf32, #tpu.memory_space<hbm>> -> memref<16x2048xf32, #tpu.memory_space<hbm>>
    tpu.wait_dma2 semaphore(%arg7 : memref<!tpu.dma_semaphore, #tpu.memory_space<semaphore_mem>>) src(%arg5 : memref<16x2048xf32, #tpu.memory_space<vmem>>) dst(%dma_wait3A_258 : memref<16x2048xf32, #tpu.memory_space<hbm>>)
    %add3A_259 = arith.constant 176 : i32
    %add3A_260 = arith.addi %mul3A_2, %add3A_259 : i32
    %dma_start3A_261 = arith.constant 0 : i32
    %dma_start3A_262 = tpu.memref_slice %arg2[%add3A_260, %dma_start3A_261] : memref<8192x2048xf32, #tpu.memory_space<hbm>> -> memref<16x2048xf32, #tpu.memory_space<hbm>>
    %dma_start3A_263 = arith.constant 0 : i32
    %dma_start3A_264 = tpu.memref_slice %arg2[%add3A_260, %dma_start3A_263] : memref<8192x2048xf32, #tpu.memory_space<hbm>> -> memref<16x2048xf32, #tpu.memory_space<hbm>>
    tpu.enqueue_dma source(%dma_start3A_264 : memref<16x2048xf32, #tpu.memory_space<hbm>>) target(%arg5 : memref<16x2048xf32, #tpu.memory_space<vmem>>) target_semaphore(%arg6 : memref<!tpu.dma_semaphore, #tpu.memory_space<semaphore_mem>>)
    %add3A_265 = arith.constant 176 : i32
    %add3A_266 = arith.addi %mul3A_2, %add3A_265 : i32
    %dma_wait3A_267 = arith.constant 0 : i32
    %dma_wait3A_268 = tpu.memref_slice %arg2[%add3A_266, %dma_wait3A_267] : memref<8192x2048xf32, #tpu.memory_space<hbm>> -> memref<16x2048xf32, #tpu.memory_space<hbm>>
    %dma_wait3A_269 = arith.constant 0 : i32
    %dma_wait3A_270 = tpu.memref_slice %arg2[%add3A_266, %dma_wait3A_269] : memref<8192x2048xf32, #tpu.memory_space<hbm>> -> memref<16x2048xf32, #tpu.memory_space<hbm>>
    tpu.wait_dma2 semaphore(%arg6 : memref<!tpu.dma_semaphore, #tpu.memory_space<semaphore_mem>>) src(%dma_wait3A_270 : memref<16x2048xf32, #tpu.memory_space<hbm>>) dst(%arg5 : memref<16x2048xf32, #tpu.memory_space<vmem>>)
    %add3A_271 = arith.constant 176 : i32
    %add3A_272 = arith.addi %mul3A_2, %add3A_271 : i32
    %dma_start3A_273 = arith.constant 0 : i32
    %dma_start3A_274 = tpu.memref_slice %arg3[%add3A_272, %dma_start3A_273] : memref<8192x2048xf32, #tpu.memory_space<hbm>> -> memref<16x2048xf32, #tpu.memory_space<hbm>>
    %dma_start3A_275 = arith.constant 0 : i32
    %dma_start3A_276 = tpu.memref_slice %arg3[%add3A_272, %dma_start3A_275] : memref<8192x2048xf32, #tpu.memory_space<hbm>> -> memref<16x2048xf32, #tpu.memory_space<hbm>>
    tpu.enqueue_dma source(%arg5 : memref<16x2048xf32, #tpu.memory_space<vmem>>) target(%dma_start3A_276 : memref<16x2048xf32, #tpu.memory_space<hbm>>) target_semaphore(%arg7 : memref<!tpu.dma_semaphore, #tpu.memory_space<semaphore_mem>>)
    %add3A_277 = arith.constant 160 : i32
    %add3A_278 = arith.addi %mul3A_2, %add3A_277 : i32
    %dma_wait3A_279 = arith.constant 0 : i32
    %dma_wait3A_280 = tpu.memref_slice %arg3[%add3A_278, %dma_wait3A_279] : memref<8192x2048xf32, #tpu.memory_space<hbm>> -> memref<16x2048xf32, #tpu.memory_space<hbm>>
    %dma_wait3A_281 = arith.constant 0 : i32
    %dma_wait3A_282 = tpu.memref_slice %arg3[%add3A_278, %dma_wait3A_281] : memref<8192x2048xf32, #tpu.memory_space<hbm>> -> memref<16x2048xf32, #tpu.memory_space<hbm>>
    tpu.wait_dma2 semaphore(%arg7 : memref<!tpu.dma_semaphore, #tpu.memory_space<semaphore_mem>>) src(%arg4 : memref<16x2048xf32, #tpu.memory_space<vmem>>) dst(%dma_wait3A_282 : memref<16x2048xf32, #tpu.memory_space<hbm>>)
    %add3A_283 = arith.constant 192 : i32
    %add3A_284 = arith.addi %mul3A_2, %add3A_283 : i32
    %dma_start3A_285 = arith.constant 0 : i32
    %dma_start3A_286 = tpu.memref_slice %arg2[%add3A_284, %dma_start3A_285] : memref<8192x2048xf32, #tpu.memory_space<hbm>> -> memref<16x2048xf32, #tpu.memory_space<hbm>>
    %dma_start3A_287 = arith.constant 0 : i32
    %dma_start3A_288 = tpu.memref_slice %arg2[%add3A_284, %dma_start3A_287] : memref<8192x2048xf32, #tpu.memory_space<hbm>> -> memref<16x2048xf32, #tpu.memory_space<hbm>>
    tpu.enqueue_dma source(%dma_start3A_288 : memref<16x2048xf32, #tpu.memory_space<hbm>>) target(%arg4 : memref<16x2048xf32, #tpu.memory_space<vmem>>) target_semaphore(%arg6 : memref<!tpu.dma_semaphore, #tpu.memory_space<semaphore_mem>>)
    %add3A_289 = arith.constant 192 : i32
    %add3A_290 = arith.addi %mul3A_2, %add3A_289 : i32
    %dma_wait3A_291 = arith.constant 0 : i32
    %dma_wait3A_292 = tpu.memref_slice %arg2[%add3A_290, %dma_wait3A_291] : memref<8192x2048xf32, #tpu.memory_space<hbm>> -> memref<16x2048xf32, #tpu.memory_space<hbm>>
    %dma_wait3A_293 = arith.constant 0 : i32
    %dma_wait3A_294 = tpu.memref_slice %arg2[%add3A_290, %dma_wait3A_293] : memref<8192x2048xf32, #tpu.memory_space<hbm>> -> memref<16x2048xf32, #tpu.memory_space<hbm>>
    tpu.wait_dma2 semaphore(%arg6 : memref<!tpu.dma_semaphore, #tpu.memory_space<semaphore_mem>>) src(%dma_wait3A_294 : memref<16x2048xf32, #tpu.memory_space<hbm>>) dst(%arg4 : memref<16x2048xf32, #tpu.memory_space<vmem>>)
    %add3A_295 = arith.constant 192 : i32
    %add3A_296 = arith.addi %mul3A_2, %add3A_295 : i32
    %dma_start3A_297 = arith.constant 0 : i32
    %dma_start3A_298 = tpu.memref_slice %arg3[%add3A_296, %dma_start3A_297] : memref<8192x2048xf32, #tpu.memory_space<hbm>> -> memref<16x2048xf32, #tpu.memory_space<hbm>>
    %dma_start3A_299 = arith.constant 0 : i32
    %dma_start3A_300 = tpu.memref_slice %arg3[%add3A_296, %dma_start3A_299] : memref<8192x2048xf32, #tpu.memory_space<hbm>> -> memref<16x2048xf32, #tpu.memory_space<hbm>>
    tpu.enqueue_dma source(%arg4 : memref<16x2048xf32, #tpu.memory_space<vmem>>) target(%dma_start3A_300 : memref<16x2048xf32, #tpu.memory_space<hbm>>) target_semaphore(%arg7 : memref<!tpu.dma_semaphore, #tpu.memory_space<semaphore_mem>>)
    %add3A_301 = arith.constant 176 : i32
    %add3A_302 = arith.addi %mul3A_2, %add3A_301 : i32
    %dma_wait3A_303 = arith.constant 0 : i32
    %dma_wait3A_304 = tpu.memref_slice %arg3[%add3A_302, %dma_wait3A_303] : memref<8192x2048xf32, #tpu.memory_space<hbm>> -> memref<16x2048xf32, #tpu.memory_space<hbm>>
    %dma_wait3A_305 = arith.constant 0 : i32
    %dma_wait3A_306 = tpu.memref_slice %arg3[%add3A_302, %dma_wait3A_305] : memref<8192x2048xf32, #tpu.memory_space<hbm>> -> memref<16x2048xf32, #tpu.memory_space<hbm>>
    tpu.wait_dma2 semaphore(%arg7 : memref<!tpu.dma_semaphore, #tpu.memory_space<semaphore_mem>>) src(%arg5 : memref<16x2048xf32, #tpu.memory_space<vmem>>) dst(%dma_wait3A_306 : memref<16x2048xf32, #tpu.memory_space<hbm>>)
    %add3A_307 = arith.constant 208 : i32
    %add3A_308 = arith.addi %mul3A_2, %add3A_307 : i32
    %dma_start3A_309 = arith.constant 0 : i32
    %dma_start3A_310 = tpu.memref_slice %arg2[%add3A_308, %dma_start3A_309] : memref<8192x2048xf32, #tpu.memory_space<hbm>> -> memref<16x2048xf32, #tpu.memory_space<hbm>>
    %dma_start3A_311 = arith.constant 0 : i32
    %dma_start3A_312 = tpu.memref_slice %arg2[%add3A_308, %dma_start3A_311] : memref<8192x2048xf32, #tpu.memory_space<hbm>> -> memref<16x2048xf32, #tpu.memory_space<hbm>>
    tpu.enqueue_dma source(%dma_start3A_312 : memref<16x2048xf32, #tpu.memory_space<hbm>>) target(%arg5 : memref<16x2048xf32, #tpu.memory_space<vmem>>) target_semaphore(%arg6 : memref<!tpu.dma_semaphore, #tpu.memory_space<semaphore_mem>>)
    %add3A_313 = arith.constant 208 : i32
    %add3A_314 = arith.addi %mul3A_2, %add3A_313 : i32
    %dma_wait3A_315 = arith.constant 0 : i32
    %dma_wait3A_316 = tpu.memref_slice %arg2[%add3A_314, %dma_wait3A_315] : memref<8192x2048xf32, #tpu.memory_space<hbm>> -> memref<16x2048xf32, #tpu.memory_space<hbm>>
    %dma_wait3A_317 = arith.constant 0 : i32
    %dma_wait3A_318 = tpu.memref_slice %arg2[%add3A_314, %dma_wait3A_317] : memref<8192x2048xf32, #tpu.memory_space<hbm>> -> memref<16x2048xf32, #tpu.memory_space<hbm>>
    tpu.wait_dma2 semaphore(%arg6 : memref<!tpu.dma_semaphore, #tpu.memory_space<semaphore_mem>>) src(%dma_wait3A_318 : memref<16x2048xf32, #tpu.memory_space<hbm>>) dst(%arg5 : memref<16x2048xf32, #tpu.memory_space<vmem>>)
    %add3A_319 = arith.constant 208 : i32
    %add3A_320 = arith.addi %mul3A_2, %add3A_319 : i32
    %dma_start3A_321 = arith.constant 0 : i32
    %dma_start3A_322 = tpu.memref_slice %arg3[%add3A_320, %dma_start3A_321] : memref<8192x2048xf32, #tpu.memory_space<hbm>> -> memref<16x2048xf32, #tpu.memory_space<hbm>>
    %dma_start3A_323 = arith.constant 0 : i32
    %dma_start3A_324 = tpu.memref_slice %arg3[%add3A_320, %dma_start3A_323] : memref<8192x2048xf32, #tpu.memory_space<hbm>> -> memref<16x2048xf32, #tpu.memory_space<hbm>>
    tpu.enqueue_dma source(%arg5 : memref<16x2048xf32, #tpu.memory_space<vmem>>) target(%dma_start3A_324 : memref<16x2048xf32, #tpu.memory_space<hbm>>) target_semaphore(%arg7 : memref<!tpu.dma_semaphore, #tpu.memory_space<semaphore_mem>>)
    %add3A_325 = arith.constant 192 : i32
    %add3A_326 = arith.addi %mul3A_2, %add3A_325 : i32
    %dma_wait3A_327 = arith.constant 0 : i32
    %dma_wait3A_328 = tpu.memref_slice %arg3[%add3A_326, %dma_wait3A_327] : memref<8192x2048xf32, #tpu.memory_space<hbm>> -> memref<16x2048xf32, #tpu.memory_space<hbm>>
    %dma_wait3A_329 = arith.constant 0 : i32
    %dma_wait3A_330 = tpu.memref_slice %arg3[%add3A_326, %dma_wait3A_329] : memref<8192x2048xf32, #tpu.memory_space<hbm>> -> memref<16x2048xf32, #tpu.memory_space<hbm>>
    tpu.wait_dma2 semaphore(%arg7 : memref<!tpu.dma_semaphore, #tpu.memory_space<semaphore_mem>>) src(%arg4 : memref<16x2048xf32, #tpu.memory_space<vmem>>) dst(%dma_wait3A_330 : memref<16x2048xf32, #tpu.memory_space<hbm>>)
    %add3A_331 = arith.constant 224 : i32
    %add3A_332 = arith.addi %mul3A_2, %add3A_331 : i32
    %dma_start3A_333 = arith.constant 0 : i32
    %dma_start3A_334 = tpu.memref_slice %arg2[%add3A_332, %dma_start3A_333] : memref<8192x2048xf32, #tpu.memory_space<hbm>> -> memref<16x2048xf32, #tpu.memory_space<hbm>>
    %dma_start3A_335 = arith.constant 0 : i32
    %dma_start3A_336 = tpu.memref_slice %arg2[%add3A_332, %dma_start3A_335] : memref<8192x2048xf32, #tpu.memory_space<hbm>> -> memref<16x2048xf32, #tpu.memory_space<hbm>>
    tpu.enqueue_dma source(%dma_start3A_336 : memref<16x2048xf32, #tpu.memory_space<hbm>>) target(%arg4 : memref<16x2048xf32, #tpu.memory_space<vmem>>) target_semaphore(%arg6 : memref<!tpu.dma_semaphore, #tpu.memory_space<semaphore_mem>>)
    %add3A_337 = arith.constant 224 : i32
    %add3A_338 = arith.addi %mul3A_2, %add3A_337 : i32
    %dma_wait3A_339 = arith.constant 0 : i32
    %dma_wait3A_340 = tpu.memref_slice %arg2[%add3A_338, %dma_wait3A_339] : memref<8192x2048xf32, #tpu.memory_space<hbm>> -> memref<16x2048xf32, #tpu.memory_space<hbm>>
    %dma_wait3A_341 = arith.constant 0 : i32
    %dma_wait3A_342 = tpu.memref_slice %arg2[%add3A_338, %dma_wait3A_341] : memref<8192x2048xf32, #tpu.memory_space<hbm>> -> memref<16x2048xf32, #tpu.memory_space<hbm>>
    tpu.wait_dma2 semaphore(%arg6 : memref<!tpu.dma_semaphore, #tpu.memory_space<semaphore_mem>>) src(%dma_wait3A_342 : memref<16x2048xf32, #tpu.memory_space<hbm>>) dst(%arg4 : memref<16x2048xf32, #tpu.memory_space<vmem>>)
    %add3A_343 = arith.constant 224 : i32
    %add3A_344 = arith.addi %mul3A_2, %add3A_343 : i32
    %dma_start3A_345 = arith.constant 0 : i32
    %dma_start3A_346 = tpu.memref_slice %arg3[%add3A_344, %dma_start3A_345] : memref<8192x2048xf32, #tpu.memory_space<hbm>> -> memref<16x2048xf32, #tpu.memory_space<hbm>>
    %dma_start3A_347 = arith.constant 0 : i32
    %dma_start3A_348 = tpu.memref_slice %arg3[%add3A_344, %dma_start3A_347] : memref<8192x2048xf32, #tpu.memory_space<hbm>> -> memref<16x2048xf32, #tpu.memory_space<hbm>>
    tpu.enqueue_dma source(%arg4 : memref<16x2048xf32, #tpu.memory_space<vmem>>) target(%dma_start3A_348 : memref<16x2048xf32, #tpu.memory_space<hbm>>) target_semaphore(%arg7 : memref<!tpu.dma_semaphore, #tpu.memory_space<semaphore_mem>>)
    %add3A_349 = arith.constant 208 : i32
    %add3A_350 = arith.addi %mul3A_2, %add3A_349 : i32
    %dma_wait3A_351 = arith.constant 0 : i32
    %dma_wait3A_352 = tpu.memref_slice %arg3[%add3A_350, %dma_wait3A_351] : memref<8192x2048xf32, #tpu.memory_space<hbm>> -> memref<16x2048xf32, #tpu.memory_space<hbm>>
    %dma_wait3A_353 = arith.constant 0 : i32
    %dma_wait3A_354 = tpu.memref_slice %arg3[%add3A_350, %dma_wait3A_353] : memref<8192x2048xf32, #tpu.memory_space<hbm>> -> memref<16x2048xf32, #tpu.memory_space<hbm>>
    tpu.wait_dma2 semaphore(%arg7 : memref<!tpu.dma_semaphore, #tpu.memory_space<semaphore_mem>>) src(%arg5 : memref<16x2048xf32, #tpu.memory_space<vmem>>) dst(%dma_wait3A_354 : memref<16x2048xf32, #tpu.memory_space<hbm>>)
    %add3A_355 = arith.constant 240 : i32
    %add3A_356 = arith.addi %mul3A_2, %add3A_355 : i32
    %dma_start3A_357 = arith.constant 0 : i32
    %dma_start3A_358 = tpu.memref_slice %arg2[%add3A_356, %dma_start3A_357] : memref<8192x2048xf32, #tpu.memory_space<hbm>> -> memref<16x2048xf32, #tpu.memory_space<hbm>>
    %dma_start3A_359 = arith.constant 0 : i32
    %dma_start3A_360 = tpu.memref_slice %arg2[%add3A_356, %dma_start3A_359] : memref<8192x2048xf32, #tpu.memory_space<hbm>> -> memref<16x2048xf32, #tpu.memory_space<hbm>>
    tpu.enqueue_dma source(%dma_start3A_360 : memref<16x2048xf32, #tpu.memory_space<hbm>>) target(%arg5 : memref<16x2048xf32, #tpu.memory_space<vmem>>) target_semaphore(%arg6 : memref<!tpu.dma_semaphore, #tpu.memory_space<semaphore_mem>>)
    %add3A_361 = arith.constant 240 : i32
    %add3A_362 = arith.addi %mul3A_2, %add3A_361 : i32
    %dma_wait3A_363 = arith.constant 0 : i32
    %dma_wait3A_364 = tpu.memref_slice %arg2[%add3A_362, %dma_wait3A_363] : memref<8192x2048xf32, #tpu.memory_space<hbm>> -> memref<16x2048xf32, #tpu.memory_space<hbm>>
    %dma_wait3A_365 = arith.constant 0 : i32
    %dma_wait3A_366 = tpu.memref_slice %arg2[%add3A_362, %dma_wait3A_365] : memref<8192x2048xf32, #tpu.memory_space<hbm>> -> memref<16x2048xf32, #tpu.memory_space<hbm>>
    tpu.wait_dma2 semaphore(%arg6 : memref<!tpu.dma_semaphore, #tpu.memory_space<semaphore_mem>>) src(%dma_wait3A_366 : memref<16x2048xf32, #tpu.memory_space<hbm>>) dst(%arg5 : memref<16x2048xf32, #tpu.memory_space<vmem>>)
    %add3A_367 = arith.constant 240 : i32
    %add3A_368 = arith.addi %mul3A_2, %add3A_367 : i32
    %dma_start3A_369 = arith.constant 0 : i32
    %dma_start3A_370 = tpu.memref_slice %arg3[%add3A_368, %dma_start3A_369] : memref<8192x2048xf32, #tpu.memory_space<hbm>> -> memref<16x2048xf32, #tpu.memory_space<hbm>>
    %dma_start3A_371 = arith.constant 0 : i32
    %dma_start3A_372 = tpu.memref_slice %arg3[%add3A_368, %dma_start3A_371] : memref<8192x2048xf32, #tpu.memory_space<hbm>> -> memref<16x2048xf32, #tpu.memory_space<hbm>>
    tpu.enqueue_dma source(%arg5 : memref<16x2048xf32, #tpu.memory_space<vmem>>) target(%dma_start3A_372 : memref<16x2048xf32, #tpu.memory_space<hbm>>) target_semaphore(%arg7 : memref<!tpu.dma_semaphore, #tpu.memory_space<semaphore_mem>>)
    %add3A_373 = arith.constant 224 : i32
    %add3A_374 = arith.addi %mul3A_2, %add3A_373 : i32
    %dma_wait3A_375 = arith.constant 0 : i32
    %dma_wait3A_376 = tpu.memref_slice %arg3[%add3A_374, %dma_wait3A_375] : memref<8192x2048xf32, #tpu.memory_space<hbm>> -> memref<16x2048xf32, #tpu.memory_space<hbm>>
    %dma_wait3A_377 = arith.constant 0 : i32
    %dma_wait3A_378 = tpu.memref_slice %arg3[%add3A_374, %dma_wait3A_377] : memref<8192x2048xf32, #tpu.memory_space<hbm>> -> memref<16x2048xf32, #tpu.memory_space<hbm>>
    tpu.wait_dma2 semaphore(%arg7 : memref<!tpu.dma_semaphore, #tpu.memory_space<semaphore_mem>>) src(%arg4 : memref<16x2048xf32, #tpu.memory_space<vmem>>) dst(%dma_wait3A_378 : memref<16x2048xf32, #tpu.memory_space<hbm>>)
    %add3A_379 = arith.constant 240 : i32
    %add3A_380 = arith.addi %mul3A_2, %add3A_379 : i32
    %dma_wait3A_381 = arith.constant 0 : i32
    %dma_wait3A_382 = tpu.memref_slice %arg3[%add3A_380, %dma_wait3A_381] : memref<8192x2048xf32, #tpu.memory_space<hbm>> -> memref<16x2048xf32, #tpu.memory_space<hbm>>
    %dma_wait3A_383 = arith.constant 0 : i32
    %dma_wait3A_384 = tpu.memref_slice %arg3[%add3A_380, %dma_wait3A_383] : memref<8192x2048xf32, #tpu.memory_space<hbm>> -> memref<16x2048xf32, #tpu.memory_space<hbm>>
    tpu.wait_dma2 semaphore(%arg7 : memref<!tpu.dma_semaphore, #tpu.memory_space<semaphore_mem>>) src(%arg5 : memref<16x2048xf32, #tpu.memory_space<vmem>>) dst(%dma_wait3A_384 : memref<16x2048xf32, #tpu.memory_space<hbm>>)
    return
  }
}

module attributes {stable_mosaic.version = 14 : i64} {
  func.func @_tc_copy_kernel(%arg0: i32, %arg1: memref<1024x2048xf32, #tpu.memory_space<vmem>>, %arg2: memref<1024x2048xf32, #tpu.memory_space<vmem>>) attributes {dimension_semantics = [#tpu.dimension_semantics<arbitrary>], iteration_bounds = array<i64: 8>, scalar_prefetch = 0 : i64, scratch_operands = 0 : i64, tpu.core_type = #tpu.core_type<tc>, window_params = [{transform_indices = @transform_0, window_bounds = array<i64: 1024, 2048>}, {transform_indices = @transform_1, window_bounds = array<i64: 1024, 2048>}]} {
    %get3A = arith.constant 0 : index
    %get3A_0 = arith.constant 0 : index
    %get3A_1 = vector.load %arg1[%get3A, %get3A_0] : memref<1024x2048xf32, #tpu.memory_space<vmem>>, vector<1024x2048xf32>
    %swap3A = arith.constant 0 : index
    %swap3A_2 = arith.constant 0 : index
    %swap3A_3 = vector.load %arg2[%swap3A, %swap3A_2] : memref<1024x2048xf32, #tpu.memory_space<vmem>>, vector<1024x2048xf32>
    tpu.vector_store %arg2[%swap3A, %swap3A_2], %get3A_1 {strides = array<i32>} : memref<1024x2048xf32, #tpu.memory_space<vmem>>, vector<1024x2048xf32>,
    return
  }
  func.func @transform_0(%arg0: i32) -> (i32, i32) {
    %c0_i32 = arith.constant 0 : i32
    %c0_i32_0 = arith.constant 0 : i32
    return %arg0, %c0_i32 : i32, i32
  }
  func.func @transform_1(%arg0: i32) -> (i32, i32) {
    %c0_i32 = arith.constant 0 : i32
    %c0_i32_0 = arith.constant 0 : i32
    return %arg0, %c0_i32 : i32, i32
  }
}

</mosaic_0001>

<sc_bundles>
// kernel: kernel.4.cloned.1.call-start
scs
__scs_entry_jumppad:
0x0: {  	(pc) =	sbr.rel $0x88, $3  }
0x1: {  	(tag) =	ssettag $0x0;
	lr =	simm.s32 $0x1  }
0x2: {  	[smem:$0x3FA0] =	sst lr;
	_ =	strace $0xD0000000  }
0x3: {  	_ = 	snop  }
0x4: {  	_ = 	snop  }
0x5: {  	_ = 	snop  }
0x6: {  	_ = 	snop  }
0x7: {  	_ = 	snop  }
__scs_overlays_trampoline_lowered:
0x8: {  	[smem:$0x3FAF] =	sst s0  }
0x9: {  	[smem:$0x3FB0] =	sst s1  }
0xa: {  	[smem:$0x3FB1] =	sst s2  }
0xb: {  	[smem:$0x3FB2] =	sst s3  }
0xc: {  	[smem:$0x3FB3] =	sst s4  }
0xd: {  	[smem:$0x3FB4] =	sst s5  }
0xe: {  	[smem:$0x3FB5] =	sst s6  }
0xf: {  	[smem:$0x3FB6] =	sst s7  }
0x10: {  	[smem:$0x3FB7] =	sst s8  }
0x11: {  	[smem:$0x3FB8] =	sst s9;
	s0 =	simm.s32 @!p0 $0x0  }
0x12: {  	s1 =	sld [smem:$0x3F9E];
	s0 =	simm.s32 @p0 $0x1  }
0x13: {  	[smem:$0x3FB9] =	sst s0;
	s0 =	simm.s32 @!p1 $0x0  }
0x14: {  	s2 =	sld [smem:$0x3F9D];
	s0 =	simm.s32 @p1 $0x1  }
0x15: {  	[smem:$0x3FBA] =	sst s0;
	s0 =	simm.s32 @!p2 $0x0  }
0x16: {  	s3 =	sld [smem:$0x3FDB];
	s0 =	simm.s32 @p2 $0x1  }
0x17: {  	s4 =	simm.s32 $0x1BF5;
	[smem:$0x3FBC] =	sst s0  }
0x18: {  	s0 =	sld [smem:$0x3F9F];
	_ =	swait.ge [sflag:s4], $0x0  }
0x19: {  	s7 =	sld [smem:$0x3FA0]  }
0x1a: {  	s8 =	sadd.s32 $0xFFFFE003, lr  }
0x1b: {  	s9 =	sadd.s32 $0xFFFFFEF7, lr;
	s5 =	simm.s32 $0xFFFFFFFF;
	p2 =	slt.u32 s8, $0xFFFFF086  }
0x1c: {  	p1 =	slt.u32 s9, $0xF7A;
	s5 =	simm.s32 @!p2 $0x0  }
0x1d: {  	s5 =	simm.s32 @p1 $0x1;
	p0 =	seq.s32 s7, s2  }
0x1e: {  	s7 =	smul.u32 @!p0 $0xF7A, s2;
	p2 =	seq.s32 @!p0 s5, $0x0  }
0x1f: {  	s9 =	smul.u32 $0xF7A, s1;
	s8 =	simm.s32 @!p0 $0x1BF5;
	p2 =	por !p2, p0  }
0x20: {  	[sflag:s8] =	ssyncset.s32 @!p0 $0xFFFFF086;
	s6 =	sadd.s32 @!p0 s3, s7;
	s7 =	simm.s32 @!p0 $0x108  }
0x21: {  	s3 =	sadd.s32 s3, s9;
	s6 =	sadd.s32 @!p0 $0x88, s6;
	s7 =	simm.s32 @p2 $0x1082  }
0x22: {  	[simem:s7], [sflag:s8] =	dma.local @!p0 [hbm:s6], $0xF7A  }
0x23: {  	s9 =	sor.u32 $0xD0000000, s2;
	s6 =	simm.s32 $0x108;
	_ =	swait.ge @!p0 [sflag:s8], $0x0  }
0x24: {  	s3 =	sadd.s32 $0x88, s3;
	s6 =	simm.s32 @!p1 $0x1082;
	[sflag:s4] =	ssyncset.s32 $0xFFFFF086  }
0x25: {  	[simem:s6], [sflag:s4] =	dma.local [hbm:s3], $0xF7A  }
0x26: {  	[smem:$0x3FA0] =	sst s1;
	(tag) =	ssettag s2;
	_ =	strace s9  }
0x27: {  	s1 =	sld [smem:$0x3FB0]  }
0x28: {  	s2 =	sld [smem:$0x3FB1]  }
0x29: {  	s4 =	sld [smem:$0x3FB3]  }
0x2a: {  	p0 =	seq.s32 s5, $0x0;
	s5 =	sld [smem:$0x3FB4]  }
0x2b: {  	s6 =	sld [smem:$0x3FB5]  }
0x2c: {  	s7 =	sld [smem:$0x3FB6]  }
0x2d: {  	s3 =	simm.s32 $0x108;
	s8 =	sld [smem:$0x3FB7]  }
0x2e: {  	s3 =	simm.s32 @!p0 $0x1082;
	s9 =	sld [smem:$0x3FB8]  }
0x2f: {  	lr =	sadd.s32 s0, s3;
	s0 =	sld [smem:$0x3FAF]  }
0x30: {  	s3 =	sld [smem:$0x3FB2]  }
0x31: {  	[smem:$0x3FBB] =	sst s10  }
0x32: {  	s10 =	sld [smem:$0x3FB9];
	_ =	sdelay $0x3  }
0x33: {  	p0 =	seq.s32 s10, $0x1;
	s10 =	sld [smem:$0x3FBB];
	_ =	sdelay $0x3  }
0x34: {  	[smem:$0x3FBB] =	sst s10  }
0x35: {  	s10 =	sld [smem:$0x3FBA];
	_ =	sdelay $0x3  }
0x36: {  	p1 =	seq.s32 s10, $0x1;
	s10 =	sld [smem:$0x3FBB];
	_ =	sdelay $0x3  }
0x37: {  	[smem:$0x3FBB] =	sst s10  }
0x38: {  	s10 =	sld [smem:$0x3FBC]  }
0x39: {  	_ = 	snop;
	(pc) =	sbr.ind lr, $3  }
0x3a: {  	_ = 	snop  }
0x3b: {  	_ = 	snop  }
0x3c: {  	p2 =	seq.s32 s10, $0x1;
	s10 =	sld [smem:$0x3FBB]  }
0x3d: {  	_ =	shalt  }
0x3e: {  	_ =	shalt  }
0x3f: {  	_ =	shalt  }
0x40: {  	_ =	shalt  }
0x41: {  	_ =	shalt  }
0x42: {  	_ =	shalt  }
0x43: {  	_ =	shalt  }
0x44: {  	_ =	shalt  }
0x45: {  	_ =	shalt  }
0x46: {  	_ =	shalt  }
0x47: {  	_ =	shalt  }
0x48: {  	_ =	shalt  }
0x49: {  	_ =	shalt  }
0x4a: {  	_ =	shalt  }
0x4b: {  	_ =	shalt  }
0x4c: {  	_ =	shalt  }
0x4d: {  	_ =	shalt  }
0x4e: {  	_ =	shalt  }
0x4f: {  	_ =	shalt  }
0x50: {  	_ =	shalt  }
0x51: {  	_ =	shalt  }
0x52: {  	_ =	shalt  }
0x53: {  	_ =	shalt  }
0x54: {  	_ =	shalt  }
0x55: {  	_ =	shalt  }
0x56: {  	_ =	shalt  }
0x57: {  	_ =	shalt  }
0x58: {  	_ =	shalt  }
0x59: {  	_ =	shalt  }
0x5a: {  	_ =	shalt  }
0x5b: {  	_ =	shalt  }
0x5c: {  	_ =	shalt  }
0x5d: {  	_ =	shalt  }
0x5e: {  	_ =	shalt  }
0x5f: {  	_ =	shalt  }
0x60: {  	_ =	shalt  }
0x61: {  	_ =	shalt  }
0x62: {  	_ =	shalt  }
0x63: {  	_ =	shalt  }
0x64: {  	_ =	shalt  }
0x65: {  	_ =	shalt  }
0x66: {  	_ =	shalt  }
0x67: {  	_ =	shalt  }
0x68: {  	_ =	shalt  }
0x69: {  	_ =	shalt  }
0x6a: {  	_ =	shalt  }
0x6b: {  	_ =	shalt  }
0x6c: {  	_ =	shalt  }
0x6d: {  	_ =	shalt  }
0x6e: {  	_ =	shalt  }
0x6f: {  	_ =	shalt  }
0x70: {  	_ =	shalt  }
0x71: {  	_ =	shalt  }
0x72: {  	_ =	shalt  }
0x73: {  	_ =	shalt  }
0x74: {  	_ =	shalt  }
0x75: {  	_ =	shalt  }
0x76: {  	_ =	shalt  }
0x77: {  	_ =	shalt  }
0x78: {  	_ =	shalt  }
0x79: {  	_ =	shalt  }
0x7a: {  	_ =	shalt  }
0x7b: {  	_ =	shalt  }
0x7c: {  	_ =	shalt  }
0x7d: {  	_ =	shalt  }
0x7e: {  	_ =	shalt  }
0x7f: {  	_ =	shalt  }
0x80: {  	_ =	shalt  }
0x81: {  	_ =	shalt  }
0x82: {  	_ =	shalt  }
0x83: {  	_ =	shalt  }
0x84: {  	_ =	shalt  }
0x85: {  	_ =	shalt  }
0x86: {  	_ =	shalt  }
0x87: {  	_ =	shalt  }
.Lfunc_end0:
.L_simem_size_0:
called_computation_lowered:
.L_overlay_start_0:
0x88: {  	s2 =	sld [smem:$0x3FD9]  }
0x89: {  	s3 =	sld [smem:$0x3FFE];
	_ =	sdelay $0x1  }
0x8a: {  	s1 =	srdreg.scid  }
0x8b: {  	s0 =	sand.u32 $0x1, s1  }
0x8c: {  	s15 =	sshll.u32 s0, $0xA;
	s2 =	sadd.s32 s3, s2  }
0x8d: {  	s2 =	sadd.s32 s2, s15  }
0x8e: {  	[smem:$0x3FC7] =	sst s2  }
0x8f: {  	_ = 	snop  }
0x90: {  	s2 =	sld [smem:$0x3FD0];
	_ =	sdelay $0x2  }
0x91: {  	s4 =	simm.s32 $0xA;
	s5 =	simm.s32 $0x10;
	s16 =	sld [smem:$0x3FC9]  }
0x92: {  	[smem:s5], [sflag:s4] =	dma.local [hbm:s2], $0x1  }
0x93: {  	_ =	swait.eq [sflag:s4], $0x1  }
0x94: {  	[sflag:s4] =	ssyncset.done $0x0  }
0x95: {  	[sflag:s4] =	ssyncadd.s32 $0xFFFFFFFF  }
0x96: {  	s17 =	sld [smem:$0x11];
	(tm) =	ssettm $0x1  }
0x97: {  	s18 =	sld [smem:$0x3FFB];
	_ =	sdelay $0x3  }
0x98: {  	_ =	strace s18  }
0x99: {  	s4 =	sld [smem:$0x3FFC];
	_ =	sdelay $0x3  }
0x9a: {  	_ =	strace s4  }
0x9b: {  	s4 =	sld [smem:$0x3FFD];
	_ =	sdelay $0x3  }
0x9c: {  	_ =	strace s4  }
0x9d: {  	_ =	strace $0x8FFFFFFF  }
0x9e: {  	s19 =	sld [smem:$0x3FDB];
	_ =	sdelay $0x1  }
0x9f: {  	s20 =	simm.s32 $_scs_section_size  }
0xa0: {  	s6 =	simm.s32 $_size__tile_overlayer_lowered;
	s7 =	simm.s32 $_tile_overlayer_lowered  }
0xa1: {  	s23 =	simm.s32 $0x1BFF;
	s22 =	sshll.u32 s7, $0x1;
	s4 =	sadd.s32 s20, s19  }
0xa2: {  	s8 =	simm.s32 $0x0;
	s21 =	sshll.u32 s6, $0x1;
	s6 =	sadd.s32 s22, s4  }
0xa3: {  	[timem:s8], [sflag:s23] =	dma.local [hbm:s6], s21  }
0xa4: {  	_ =	swait.ge [sflag:s23], s21  }
0xa5: {  	s5 =	ssub.s32 $0x0, s21;
	[sflag:s23] =	ssyncset.done $0x0  }
0xa6: {  	[sflag:s23] =	ssyncadd.s32 s5;
	_ =	sdelay $0x1  }
0xa7: {  	s24 =	simm.s32 $0x1B8B  }
0xa8: {  	_ =	swait.ge [sflag:s24], $0x1  }
0xa9: {  	[sflag:s24] =	ssyncset.done $0x0  }
0xaa: {  	s25 =	simm.s32 $0x1B8E;
	[sflag:s24] =	ssyncadd.s32 $0xFFFFFFFF  }
0xab: {  	s26 =	simm.s32 $execute0_lowered;
	[smem:$0x3FD2] =	sst s25  }
0xac: {  	s5 =	sshll.u32 s26, $0x1;
	_ =	strace $0x80000046;
	[dreg:$0x1] =	wrdreg $0xFFFFFFFF  }
0xad: {  	s28 =	simm.s32 $_size_execute0_lowered;
	s4 =	sadd.s32 s4, s5;
	[dreg:$0x0] =	wrdreg $0x0  }
0xae: {  	s5 =	sshll.u32 s28, $0x1;
	[dreg:$0x2] =	wrdreg s4  }
0xaf: {  	[dreg:$0x3] =	wrdreg s5  }
0xb0: {  	[dreg:$0x4] =	wrdreg $0xC0  }
0xb1: {  	_ =	task [dreg:s8], $0x5FFFF  }
0xb2: {  	[dreg:$0x1] =	wrdreg $0xFFFFFFFF  }
0xb3: {  	[dreg:$0x0] =	wrdreg $0x60  }
0xb4: {  	[dreg:$0x2] =	wrdreg s16  }
0xb5: {  	[dreg:$0x3] =	wrdreg s17  }
0xb6: {  	[dreg:$0x4] =	wrdreg $0x9  }
0xb7: {  	_ =	task.clear_ibuf [dreg:s8], $0x5FFFF;
	_ =	strace $0x90000046  }
0xb8: {  	s29 =	simm.s32 $0x9;
	_ =	strace $0x80000048  }
0xb9: {  	_ =	swait.ge [sflag:s29], $0x1  }
0xba: {  	[sflag:s29] =	ssyncadd.s32 $0xFFFFFFFF  }
0xbb: {  	_ =	strace $0x90000048  }
0xbc: {  	_ =	sfence  }
0xbd: {  	s30 =	sld [smem:$0x0];
	_ =	sdelay $0x2  }
0xbe: {  	s31 =	sshll.u32 s1, $0xD;
	s1 =	sshrl.u32 s1, $0x2  }
0xbf: {  	s3 =	sand.u32 $0x4000, s31;
	s1 =	sadd.s32 s1, s30  }
0xc0: {  	s0 =	sor.u32 s3, s0;
	s1 =	sshll.u32 s1, $0x11  }
0xc1: {  	s0 =	sor.u32 s1, s0  }
0xc2: {  	s0 =	sadd.s32 $0x8F2B, s0  }
0xc3: {  	[sflag:s0] =	ssyncadd.remote.s32 $0x1  }
0xc4: {  	_ =	sfence.sel $0xFFFF  }
0xc5: {  	[dreg:$0x0] =	wrdreg $0xFFFFFFFF;
	(pc) =	sbr.abs _section_cstart, $3  }
0xc6: {  	[dreg:$0x1] =	wrdreg $0xFFFFFFFF  }
0xc7: {  	_ =	task.clear_ibuf [dreg:s8], $0x2FFFF;
	_ =	strace $0x9FFFFFFF  }
0xc8: {  	(tm) =	ssettm $0x7FFFFFFF  }
0xc9: {  	_ =	shalt  }
tec
execute0_lowered:
.L_overlay_start_1:
0x0: {  	(tag) =	ssettag $0x1  }
0x1: {  	s1 =	srdreg.scid  }
0x2: {  	s30 =	rddreg [dreg:$0x0];
	s3 =	stileid.u32;
	s1 =	sand.u32 $0x1, s1  }
0x3: {  	s2 =	simm.s32 $0x0;
	s3 =	sshll.u32 s3, $0x11;
	s4 =	sshll.u32 s1, $0x10  }
0x4: {  	[smem:$0x7FF] =	sst s2;
	s31 =	sor.u32 s4, s3  }
0x5: {  	s0 =	rddreg [dreg:$0x1];
	_ =	strace $0x80000047;
	s3 =	sadd.s32 s30, s31  }
0x6: {  	s15 =	sadd.s32 s0, s31;
	s4 =	sor.u32 $0x1000, s31;
	[dreg:$0x3] =	wrdreg s3  }
0x7: {  	[dreg:$0x4] =	wrdreg s15;
	s16 =	sadd.s32 s30, s4  }
0x8: {  	s18 =	sor.u32 $0x2000, s31;
	s17 =	sadd.s32 s0, s4;
	[dreg:$0x5] =	wrdreg s16  }
0x9: {  	s19 =	sadd.s32 s30, s18;
	[dreg:$0x6] =	wrdreg s17  }
0xa: {  	[dreg:$0x7] =	wrdreg s19  }
0xb: {  	s6 =	sor.u32 $0x3000, s31;
	s20 =	sadd.s32 s0, s18;
	s21 =	rddreg [dreg:$0x3]  }
0xc: {  	s22 =	sadd.s32 s30, s6;
	[dreg:$0x8] =	wrdreg s20  }
0xd: {  	s3 =	simm.s32 $0x1;
	[dreg:$0x9] =	wrdreg s22  }
0xe: {  	[tilespmem:s2], [sflag:$0x1] =	stream.linear.gather [hbm4b:s21+s2], $0x8000, $0x38;
	[tilespmem:$0x10000] =	vst v63  }
0xf: {  	_ =	swait.ge [sflag:s3], $0x8000  }
0x10: {  	[sflag:s3] =	ssyncset.done $0x0  }
0x11: {  	s23 =	rddreg [dreg:$0x4];
	[sflag:s3] =	ssyncadd.s32 $0xFFFF8000  }
0x12: {  	[hbm4b:s23+s2] =	stream.linear.scatter [tilespmem:s2], [sflag:$0x2], $0x8000, $0x38;
	[tilespmem:$0x10000] =	vst v63  }
0x13: {  	s4 =	simm.s32 $0x8000;
	s5 =	rddreg [dreg:$0x5]  }
0x14: {  	[tilespmem:s4], [sflag:$0x1] =	stream.linear.gather [hbm4b:s5+s2], $0x8000, $0x38;
	[tilespmem:$0x10000] =	vst v63  }
0x15: {  	_ =	swait.ge [sflag:s3], $0x8000  }
0x16: {  	[sflag:s3] =	ssyncset.done $0x0  }
0x17: {  	s5 =	simm.s32 $0x2;
	s7 =	rddreg [dreg:$0x6];
	[sflag:s3] =	ssyncadd.s32 $0xFFFF8000  }
0x18: {  	[hbm4b:s7+s2] =	stream.linear.scatter [tilespmem:s4], [sflag:$0x2], $0x8000, $0x38;
	[tilespmem:$0x10000] =	vst v63  }
0x19: {  	_ =	swait.ge [sflag:s5], $0x8000  }
0x1a: {  	[sflag:s5] =	ssyncset.done $0x0  }
0x1b: {  	s24 =	rddreg [dreg:$0x7];
	[sflag:s5] =	ssyncadd.s32 $0xFFFF8000  }
0x1c: {  	[tilespmem:s2], [sflag:$0x1] =	stream.linear.gather [hbm4b:s24+s2], $0x8000, $0x38;
	[tilespmem:$0x10000] =	vst v63  }
0x1d: {  	_ =	swait.ge [sflag:s3], $0x8000  }
0x1e: {  	[sflag:s3] =	ssyncset.done $0x0  }
0x1f: {  	s25 =	rddreg [dreg:$0x8];
	[sflag:s3] =	ssyncadd.s32 $0xFFFF8000  }
0x20: {  	[hbm4b:s25+s2] =	stream.linear.scatter [tilespmem:s2], [sflag:$0x2], $0x8000, $0x38;
	[tilespmem:$0x10000] =	vst v63  }
0x21: {  	_ =	swait.ge [sflag:s5], $0x8000  }
0x22: {  	[sflag:s5] =	ssyncset.done $0x0  }
0x23: {  	s26 =	rddreg [dreg:$0x9];
	[sflag:s5] =	ssyncadd.s32 $0xFFFF8000  }
0x24: {  	[tilespmem:s4], [sflag:$0x1] =	stream.linear.gather [hbm4b:s26+s2], $0x8000, $0x38;
	[tilespmem:$0x10000] =	vst v63  }
0x25: {  	_ =	swait.ge [sflag:s3], $0x8000  }
0x26: {  	s6 =	sadd.s32 s0, s6;
	[sflag:s3] =	ssyncset.done $0x0  }
0x27: {  	[dreg:$0xa] =	wrdreg s6;
	[sflag:s3] =	ssyncadd.s32 $0xFFFF8000  }
0x28: {  	[hbm4b:s6+s2] =	stream.linear.scatter [tilespmem:s4], [sflag:$0x2], $0x8000, $0x38;
	[tilespmem:$0x10000] =	vst v63  }
0x29: {  	_ =	swait.ge [sflag:s5], $0x8000  }
0x2a: {  	s8 =	sor.u32 $0x4000, s31;
	[sflag:s5] =	ssyncset.done $0x0  }
0x2b: {  	s7 =	sadd.s32 s30, s8;
	[sflag:s5] =	ssyncadd.s32 $0xFFFF8000  }
0x2c: {  	[tilespmem:s2], [sflag:$0x1] =	stream.linear.gather [hbm4b:s7+s2], $0x8000, $0x38;
	[tilespmem:$0x10000] =	vst v63  }
0x2d: {  	_ =	swait.ge [sflag:s3], $0x8000  }
0x2e: {  	[sflag:s3] =	ssyncset.done $0x0  }
0x2f: {  	s8 =	sadd.s32 s0, s8;
	[sflag:s3] =	ssyncadd.s32 $0xFFFF8000  }
0x30: {  	[hbm4b:s8+s2] =	stream.linear.scatter [tilespmem:s2], [sflag:$0x2], $0x8000, $0x38;
	[tilespmem:$0x10000] =	vst v63  }
0x31: {  	_ =	swait.ge [sflag:s5], $0x8000  }
0x32: {  	s10 =	sor.u32 $0x5000, s31;
	[sflag:s5] =	ssyncset.done $0x0  }
0x33: {  	s9 =	sadd.s32 s30, s10;
	[sflag:s5] =	ssyncadd.s32 $0xFFFF8000  }
0x34: {  	[tilespmem:s4], [sflag:$0x1] =	stream.linear.gather [hbm4b:s9+s2], $0x8000, $0x38;
	[tilespmem:$0x10000] =	vst v63  }
0x35: {  	_ =	swait.ge [sflag:s3], $0x8000  }
0x36: {  	[sflag:s3] =	ssyncset.done $0x0  }
0x37: {  	s10 =	sadd.s32 s0, s10;
	[sflag:s3] =	ssyncadd.s32 $0xFFFF8000  }
0x38: {  	[hbm4b:s10+s2] =	stream.linear.scatter [tilespmem:s4], [sflag:$0x2], $0x8000, $0x38;
	[tilespmem:$0x10000] =	vst v63  }
0x39: {  	_ =	swait.ge [sflag:s5], $0x8000  }
0x3a: {  	s12 =	sor.u32 $0x6000, s31;
	[sflag:s5] =	ssyncset.done $0x0  }
0x3b: {  	s11 =	sadd.s32 s30, s12;
	[sflag:s5] =	ssyncadd.s32 $0xFFFF8000  }
0x3c: {  	[tilespmem:s2], [sflag:$0x1] =	stream.linear.gather [hbm4b:s11+s2], $0x8000, $0x38;
	[tilespmem:$0x10000] =	vst v63  }
0x3d: {  	_ =	swait.ge [sflag:s3], $0x8000  }
0x3e: {  	[sflag:s3] =	ssyncset.done $0x0  }
0x3f: {  	s12 =	sadd.s32 s0, s12;
	[sflag:s3] =	ssyncadd.s32 $0xFFFF8000  }
0x40: {  	[hbm4b:s12+s2] =	stream.linear.scatter [tilespmem:s2], [sflag:$0x2], $0x8000, $0x38;
	[tilespmem:$0x10000] =	vst v63  }
0x41: {  	_ =	swait.ge [sflag:s5], $0x8000  }
0x42: {  	s14 =	sor.u32 $0x7000, s31;
	[sflag:s5] =	ssyncset.done $0x0  }
0x43: {  	s13 =	sadd.s32 s30, s14;
	[sflag:s5] =	ssyncadd.s32 $0xFFFF8000  }
0x44: {  	[tilespmem:s4], [sflag:$0x1] =	stream.linear.gather [hbm4b:s13+s2], $0x8000, $0x38;
	[tilespmem:$0x10000] =	vst v63  }
0x45: {  	_ =	swait.ge [sflag:s3], $0x8000  }
0x46: {  	[sflag:s3] =	ssyncset.done $0x0  }
0x47: {  	s14 =	sadd.s32 s0, s14;
	[sflag:s3] =	ssyncadd.s32 $0xFFFF8000  }
0x48: {  	[hbm4b:s14+s2] =	stream.linear.scatter [tilespmem:s4], [sflag:$0x2], $0x8000, $0x38;
	[tilespmem:$0x10000] =	vst v63  }
0x49: {  	_ =	swait.ge [sflag:s5], $0x8000  }
0x4a: {  	s16 =	sor.u32 $0x8000, s31;
	[sflag:s5] =	ssyncset.done $0x0  }
0x4b: {  	s15 =	sadd.s32 s30, s16;
	[sflag:s5] =	ssyncadd.s32 $0xFFFF8000  }
0x4c: {  	[tilespmem:s2], [sflag:$0x1] =	stream.linear.gather [hbm4b:s15+s2], $0x8000, $0x38;
	[tilespmem:$0x10000] =	vst v63  }
0x4d: {  	_ =	swait.ge [sflag:s3], $0x8000  }
0x4e: {  	[sflag:s3] =	ssyncset.done $0x0  }
0x4f: {  	s16 =	sadd.s32 s0, s16;
	[sflag:s3] =	ssyncadd.s32 $0xFFFF8000  }
0x50: {  	[hbm4b:s16+s2] =	stream.linear.scatter [tilespmem:s2], [sflag:$0x2], $0x8000, $0x38;
	[tilespmem:$0x10000] =	vst v63  }
0x51: {  	_ =	swait.ge [sflag:s5], $0x8000  }
0x52: {  	s18 =	sor.u32 $0x9000, s31;
	[sflag:s5] =	ssyncset.done $0x0  }
0x53: {  	s17 =	sadd.s32 s30, s18;
	[sflag:s5] =	ssyncadd.s32 $0xFFFF8000  }
0x54: {  	[tilespmem:s4], [sflag:$0x1] =	stream.linear.gather [hbm4b:s17+s2], $0x8000, $0x38;
	[tilespmem:$0x10000] =	vst v63  }
0x55: {  	_ =	swait.ge [sflag:s3], $0x8000  }
0x56: {  	[sflag:s3] =	ssyncset.done $0x0  }
0x57: {  	s18 =	sadd.s32 s0, s18;
	[sflag:s3] =	ssyncadd.s32 $0xFFFF8000  }
0x58: {  	[hbm4b:s18+s2] =	stream.linear.scatter [tilespmem:s4], [sflag:$0x2], $0x8000, $0x38;
	[tilespmem:$0x10000] =	vst v63  }
0x59: {  	_ =	swait.ge [sflag:s5], $0x8000  }
0x5a: {  	s20 =	sor.u32 $0xA000, s31;
	[sflag:s5] =	ssyncset.done $0x0  }
0x5b: {  	s19 =	sadd.s32 s30, s20;
	[sflag:s5] =	ssyncadd.s32 $0xFFFF8000  }
0x5c: {  	[tilespmem:s2], [sflag:$0x1] =	stream.linear.gather [hbm4b:s19+s2], $0x8000, $0x38;
	[tilespmem:$0x10000] =	vst v63  }
0x5d: {  	_ =	swait.ge [sflag:s3], $0x8000  }
0x5e: {  	[sflag:s3] =	ssyncset.done $0x0  }
0x5f: {  	s20 =	sadd.s32 s0, s20;
	[sflag:s3] =	ssyncadd.s32 $0xFFFF8000  }
0x60: {  	[hbm4b:s20+s2] =	stream.linear.scatter [tilespmem:s2], [sflag:$0x2], $0x8000, $0x38;
	[tilespmem:$0x10000] =	vst v63  }
0x61: {  	_ =	swait.ge [sflag:s5], $0x8000  }
0x62: {  	s22 =	sor.u32 $0xB000, s31;
	[sflag:s5] =	ssyncset.done $0x0  }
0x63: {  	s21 =	sadd.s32 s30, s22;
	[sflag:s5] =	ssyncadd.s32 $0xFFFF8000  }
0x64: {  	[tilespmem:s4], [sflag:$0x1] =	stream.linear.gather [hbm4b:s21+s2], $0x8000, $0x38;
	[tilespmem:$0x10000] =	vst v63  }
0x65: {  	_ =	swait.ge [sflag:s3], $0x8000  }
0x66: {  	[sflag:s3] =	ssyncset.done $0x0  }
0x67: {  	s22 =	sadd.s32 s0, s22;
	[sflag:s3] =	ssyncadd.s32 $0xFFFF8000  }
0x68: {  	[hbm4b:s22+s2] =	stream.linear.scatter [tilespmem:s4], [sflag:$0x2], $0x8000, $0x38;
	[tilespmem:$0x10000] =	vst v63  }
0x69: {  	_ =	swait.ge [sflag:s5], $0x8000  }
0x6a: {  	s24 =	sor.u32 $0xC000, s31;
	[sflag:s5] =	ssyncset.done $0x0  }
0x6b: {  	s23 =	sadd.s32 s30, s24;
	[sflag:s5] =	ssyncadd.s32 $0xFFFF8000  }
0x6c: {  	[tilespmem:s2], [sflag:$0x1] =	stream.linear.gather [hbm4b:s23+s2], $0x8000, $0x38;
	[tilespmem:$0x10000] =	vst v63  }
0x6d: {  	_ =	swait.ge [sflag:s3], $0x8000  }
0x6e: {  	[sflag:s3] =	ssyncset.done $0x0  }
0x6f: {  	s24 =	sadd.s32 s0, s24;
	[sflag:s3] =	ssyncadd.s32 $0xFFFF8000  }
0x70: {  	[hbm4b:s24+s2] =	stream.linear.scatter [tilespmem:s2], [sflag:$0x2], $0x8000, $0x38;
	[tilespmem:$0x10000] =	vst v63  }
0x71: {  	_ =	swait.ge [sflag:s5], $0x8000  }
0x72: {  	s26 =	sor.u32 $0xD000, s31;
	[sflag:s5] =	ssyncset.done $0x0  }
0x73: {  	s25 =	sadd.s32 s30, s26;
	[sflag:s5] =	ssyncadd.s32 $0xFFFF8000  }
0x74: {  	[tilespmem:s4], [sflag:$0x1] =	stream.linear.gather [hbm4b:s25+s2], $0x8000, $0x38;
	[tilespmem:$0x10000] =	vst v63  }
0x75: {  	_ =	swait.ge [sflag:s3], $0x8000  }
0x76: {  	[sflag:s3] =	ssyncset.done $0x0  }
0x77: {  	s26 =	sadd.s32 s0, s26;
	[sflag:s3] =	ssyncadd.s32 $0xFFFF8000  }
0x78: {  	[hbm4b:s26+s2] =	stream.linear.scatter [tilespmem:s4], [sflag:$0x2], $0x8000, $0x38;
	[tilespmem:$0x10000] =	vst v63  }
0x79: {  	_ =	swait.ge [sflag:s5], $0x8000  }
0x7a: {  	s29 =	sor.u32 $0xE000, s31;
	[sflag:s5] =	ssyncset.done $0x0  }
0x7b: {  	s28 =	sadd.s32 s30, s29;
	[sflag:s5] =	ssyncadd.s32 $0xFFFF8000  }
0x7c: {  	[tilespmem:s2], [sflag:$0x1] =	stream.linear.gather [hbm4b:s28+s2], $0x8000, $0x38;
	[tilespmem:$0x10000] =	vst v63  }
0x7d: {  	_ =	swait.ge [sflag:s3], $0x8000  }
0x7e: {  	[sflag:s3] =	ssyncset.done $0x0  }
0x7f: {  	s29 =	sadd.s32 s0, s29;
	[sflag:s3] =	ssyncadd.s32 $0xFFFF8000  }
0x80: {  	[hbm4b:s29+s2] =	stream.linear.scatter [tilespmem:s2], [sflag:$0x2], $0x8000, $0x38;
	[tilespmem:$0x10000] =	vst v63  }
0x81: {  	_ =	swait.ge [sflag:s5], $0x8000  }
0x82: {  	s31 =	sor.u32 $0xF000, s31;
	s6 =	ssub.s32 $0x2, s1;
	[sflag:s5] =	ssyncset.done $0x0  }
0x83: {  	s30 =	sadd.s32 s30, s31;
	s1 =	sshrl.u32 s6, $0x1;
	[sflag:s5] =	ssyncadd.s32 $0xFFFF8000  }
0x84: {  	[tilespmem:s4], [sflag:$0x1] =	stream.linear.gather [hbm4b:s30+s2], $0x8000, $0x38;
	[tilespmem:$0x10000] =	vst v63  }
0x85: {  	s31 =	sadd.s32 s0, s31;
	s0 =	ssub.s32 s6, s1;
	_ =	swait.ge [sflag:s3], $0x8000  }
0x86: {  	s0 =	smax.u32 s0, $0x1;
	[sflag:s3] =	ssyncset.done $0x0  }
0x87: {  	p0 =	sne.s32 s0, $0x1;
	[sflag:s3] =	ssyncadd.s32 $0xFFFF8000  }
0x88: {  	[hbm4b:s31+s2] =	stream.linear.scatter [tilespmem:s4], [sflag:$0x2], $0x8000, $0x38;
	[tilespmem:$0x10000] =	vst v63  }
.Ltmp0:
0x89: {  	_ =	swait.ge [sflag:s5], $0x8000;
	(pc) =	sbr.rel @!p0 .LBB2_2-.Ltmp0, $4  }
0x8a: {  	[sflag:s5] =	ssyncset.done $0x0  }
0x8b: {  	[sflag:s5] =	ssyncadd.s32 $0xFFFF8000  }
0x8c: {  	_ =	swait.ge [sflag:s5], $0x8000  }
0x8d: {  	s0 =	sadd.s32 $0xFFFFFFFF, s0;
	[sflag:s5] =	ssyncset.done $0x0  }
.LBB2_1:
0x8e: {  	s1 =	rddreg [dreg:$0x3];
	[sflag:s5] =	ssyncadd.s32 $0xFFFF8000  }
0x8f: {  	[tilespmem:s2], [sflag:$0x1] =	stream.linear.gather [hbm4b:s1+s2], $0x8000, $0x38;
	[tilespmem:$0x10000] =	vst v63  }
0x90: {  	_ =	swait.ge [sflag:s3], $0x8000  }
0x91: {  	[sflag:s3] =	ssyncset.done $0x0  }
0x92: {  	s1 =	rddreg [dreg:$0x4];
	[sflag:s3] =	ssyncadd.s32 $0xFFFF8000  }
0x93: {  	[hbm4b:s1+s2] =	stream.linear.scatter [tilespmem:s2], [sflag:$0x2], $0x8000, $0x38;
	[tilespmem:$0x10000] =	vst v63  }
0x94: {  	s6 =	rddreg [dreg:$0x5]  }
0x95: {  	[tilespmem:s4], [sflag:$0x1] =	stream.linear.gather [hbm4b:s6+s2], $0x8000, $0x38;
	[tilespmem:$0x10000] =	vst v63  }
0x96: {  	_ =	swait.ge [sflag:s3], $0x8000  }
0x97: {  	[sflag:s3] =	ssyncset.done $0x0  }
0x98: {  	s6 =	rddreg [dreg:$0x6];
	[sflag:s3] =	ssyncadd.s32 $0xFFFF8000  }
0x99: {  	[hbm4b:s6+s2] =	stream.linear.scatter [tilespmem:s4], [sflag:$0x2], $0x8000, $0x38;
	[tilespmem:$0x10000] =	vst v63  }
0x9a: {  	_ =	swait.ge [sflag:s5], $0x8000  }
0x9b: {  	[sflag:s5] =	ssyncset.done $0x0  }
0x9c: {  	s6 =	rddreg [dreg:$0x7];
	[sflag:s5] =	ssyncadd.s32 $0xFFFF8000  }
0x9d: {  	[tilespmem:s2], [sflag:$0x1] =	stream.linear.gather [hbm4b:s6+s2], $0x8000, $0x38;
	[tilespmem:$0x10000] =	vst v63  }
0x9e: {  	_ =	swait.ge [sflag:s3], $0x8000  }
0x9f: {  	[sflag:s3] =	ssyncset.done $0x0  }
0xa0: {  	s6 =	rddreg [dreg:$0x8];
	[sflag:s3] =	ssyncadd.s32 $0xFFFF8000  }
0xa1: {  	[hbm4b:s6+s2] =	stream.linear.scatter [tilespmem:s2], [sflag:$0x2], $0x8000, $0x38;
	[tilespmem:$0x10000] =	vst v63  }
0xa2: {  	_ =	swait.ge [sflag:s5], $0x8000  }
0xa3: {  	[sflag:s5] =	ssyncset.done $0x0  }
0xa4: {  	s6 =	rddreg [dreg:$0x9];
	[sflag:s5] =	ssyncadd.s32 $0xFFFF8000  }
0xa5: {  	[tilespmem:s4], [sflag:$0x1] =	stream.linear.gather [hbm4b:s6+s2], $0x8000, $0x38;
	[tilespmem:$0x10000] =	vst v63  }
0xa6: {  	_ =	swait.ge [sflag:s3], $0x8000  }
0xa7: {  	[sflag:s3] =	ssyncset.done $0x0  }
0xa8: {  	s6 =	rddreg [dreg:$0xa];
	[sflag:s3] =	ssyncadd.s32 $0xFFFF8000  }
0xa9: {  	[hbm4b:s6+s2] =	stream.linear.scatter [tilespmem:s4], [sflag:$0x2], $0x8000, $0x38;
	[tilespmem:$0x10000] =	vst v63  }
0xaa: {  	_ =	swait.ge [sflag:s5], $0x8000  }
0xab: {  	[sflag:s5] =	ssyncset.done $0x0  }
0xac: {  	[sflag:s5] =	ssyncadd.s32 $0xFFFF8000  }
0xad: {  	[tilespmem:s2], [sflag:$0x1] =	stream.linear.gather [hbm4b:s7+s2], $0x8000, $0x38;
	[tilespmem:$0x10000] =	vst v63  }
0xae: {  	_ =	swait.ge [sflag:s3], $0x8000  }
0xaf: {  	[sflag:s3] =	ssyncset.done $0x0  }
0xb0: {  	[sflag:s3] =	ssyncadd.s32 $0xFFFF8000  }
0xb1: {  	[hbm4b:s8+s2] =	stream.linear.scatter [tilespmem:s2], [sflag:$0x2], $0x8000, $0x38;
	[tilespmem:$0x10000] =	vst v63  }
0xb2: {  	_ =	swait.ge [sflag:s5], $0x8000  }
0xb3: {  	[sflag:s5] =	ssyncset.done $0x0  }
0xb4: {  	[sflag:s5] =	ssyncadd.s32 $0xFFFF8000  }
0xb5: {  	[tilespmem:s4], [sflag:$0x1] =	stream.linear.gather [hbm4b:s9+s2], $0x8000, $0x38;
	[tilespmem:$0x10000] =	vst v63  }
0xb6: {  	_ =	swait.ge [sflag:s3], $0x8000  }
0xb7: {  	[sflag:s3] =	ssyncset.done $0x0  }
0xb8: {  	[sflag:s3] =	ssyncadd.s32 $0xFFFF8000  }
0xb9: {  	[hbm4b:s10+s2] =	stream.linear.scatter [tilespmem:s4], [sflag:$0x2], $0x8000, $0x38;
	[tilespmem:$0x10000] =	vst v63  }
0xba: {  	_ =	swait.ge [sflag:s5], $0x8000  }
0xbb: {  	[sflag:s5] =	ssyncset.done $0x0  }
0xbc: {  	[sflag:s5] =	ssyncadd.s32 $0xFFFF8000  }
0xbd: {  	[tilespmem:s2], [sflag:$0x1] =	stream.linear.gather [hbm4b:s11+s2], $0x8000, $0x38;
	[tilespmem:$0x10000] =	vst v63  }
0xbe: {  	_ =	swait.ge [sflag:s3], $0x8000  }
0xbf: {  	[sflag:s3] =	ssyncset.done $0x0  }
0xc0: {  	[sflag:s3] =	ssyncadd.s32 $0xFFFF8000  }
0xc1: {  	[hbm4b:s12+s2] =	stream.linear.scatter [tilespmem:s2], [sflag:$0x2], $0x8000, $0x38;
	[tilespmem:$0x10000] =	vst v63  }
0xc2: {  	_ =	swait.ge [sflag:s5], $0x8000  }
0xc3: {  	[sflag:s5] =	ssyncset.done $0x0  }
0xc4: {  	[sflag:s5] =	ssyncadd.s32 $0xFFFF8000  }
0xc5: {  	[tilespmem:s4], [sflag:$0x1] =	stream.linear.gather [hbm4b:s13+s2], $0x8000, $0x38;
	[tilespmem:$0x10000] =	vst v63  }
0xc6: {  	_ =	swait.ge [sflag:s3], $0x8000  }
0xc7: {  	[sflag:s3] =	ssyncset.done $0x0  }
0xc8: {  	[sflag:s3] =	ssyncadd.s32 $0xFFFF8000  }
0xc9: {  	[hbm4b:s14+s2] =	stream.linear.scatter [tilespmem:s4], [sflag:$0x2], $0x8000, $0x38;
	[tilespmem:$0x10000] =	vst v63  }
0xca: {  	_ =	swait.ge [sflag:s5], $0x8000  }
0xcb: {  	[sflag:s5] =	ssyncset.done $0x0  }
0xcc: {  	[sflag:s5] =	ssyncadd.s32 $0xFFFF8000  }
0xcd: {  	[tilespmem:s2], [sflag:$0x1] =	stream.linear.gather [hbm4b:s15+s2], $0x8000, $0x38;
	[tilespmem:$0x10000] =	vst v63  }
0xce: {  	_ =	swait.ge [sflag:s3], $0x8000  }
0xcf: {  	[sflag:s3] =	ssyncset.done $0x0  }
0xd0: {  	[sflag:s3] =	ssyncadd.s32 $0xFFFF8000  }
0xd1: {  	[hbm4b:s16+s2] =	stream.linear.scatter [tilespmem:s2], [sflag:$0x2], $0x8000, $0x38;
	[tilespmem:$0x10000] =	vst v63  }
0xd2: {  	_ =	swait.ge [sflag:s5], $0x8000  }
0xd3: {  	[sflag:s5] =	ssyncset.done $0x0  }
0xd4: {  	[sflag:s5] =	ssyncadd.s32 $0xFFFF8000  }
0xd5: {  	[tilespmem:s4], [sflag:$0x1] =	stream.linear.gather [hbm4b:s17+s2], $0x8000, $0x38;
	[tilespmem:$0x10000] =	vst v63  }
0xd6: {  	_ =	swait.ge [sflag:s3], $0x8000  }
0xd7: {  	[sflag:s3] =	ssyncset.done $0x0  }
0xd8: {  	[sflag:s3] =	ssyncadd.s32 $0xFFFF8000  }
0xd9: {  	[hbm4b:s18+s2] =	stream.linear.scatter [tilespmem:s4], [sflag:$0x2], $0x8000, $0x38;
	[tilespmem:$0x10000] =	vst v63  }
0xda: {  	_ =	swait.ge [sflag:s5], $0x8000  }
0xdb: {  	[sflag:s5] =	ssyncset.done $0x0  }
0xdc: {  	[sflag:s5] =	ssyncadd.s32 $0xFFFF8000  }
0xdd: {  	[tilespmem:s2], [sflag:$0x1] =	stream.linear.gather [hbm4b:s19+s2], $0x8000, $0x38;
	[tilespmem:$0x10000] =	vst v63  }
0xde: {  	_ =	swait.ge [sflag:s3], $0x8000  }
0xdf: {  	[sflag:s3] =	ssyncset.done $0x0  }
0xe0: {  	[sflag:s3] =	ssyncadd.s32 $0xFFFF8000  }
0xe1: {  	[hbm4b:s20+s2] =	stream.linear.scatter [tilespmem:s2], [sflag:$0x2], $0x8000, $0x38;
	[tilespmem:$0x10000] =	vst v63  }
0xe2: {  	_ =	swait.ge [sflag:s5], $0x8000  }
0xe3: {  	[sflag:s5] =	ssyncset.done $0x0  }
0xe4: {  	[sflag:s5] =	ssyncadd.s32 $0xFFFF8000  }
0xe5: {  	[tilespmem:s4], [sflag:$0x1] =	stream.linear.gather [hbm4b:s21+s2], $0x8000, $0x38;
	[tilespmem:$0x10000] =	vst v63  }
0xe6: {  	_ =	swait.ge [sflag:s3], $0x8000  }
0xe7: {  	[sflag:s3] =	ssyncset.done $0x0  }
0xe8: {  	[sflag:s3] =	ssyncadd.s32 $0xFFFF8000  }
0xe9: {  	[hbm4b:s22+s2] =	stream.linear.scatter [tilespmem:s4], [sflag:$0x2], $0x8000, $0x38;
	[tilespmem:$0x10000] =	vst v63  }
0xea: {  	_ =	swait.ge [sflag:s5], $0x8000  }
0xeb: {  	[sflag:s5] =	ssyncset.done $0x0  }
0xec: {  	[sflag:s5] =	ssyncadd.s32 $0xFFFF8000  }
0xed: {  	[tilespmem:s2], [sflag:$0x1] =	stream.linear.gather [hbm4b:s23+s2], $0x8000, $0x38;
	[tilespmem:$0x10000] =	vst v63  }
0xee: {  	_ =	swait.ge [sflag:s3], $0x8000  }
0xef: {  	[sflag:s3] =	ssyncset.done $0x0  }
0xf0: {  	[sflag:s3] =	ssyncadd.s32 $0xFFFF8000  }
0xf1: {  	[hbm4b:s24+s2] =	stream.linear.scatter [tilespmem:s2], [sflag:$0x2], $0x8000, $0x38;
	[tilespmem:$0x10000] =	vst v63  }
0xf2: {  	_ =	swait.ge [sflag:s5], $0x8000  }
0xf3: {  	[sflag:s5] =	ssyncset.done $0x0  }
0xf4: {  	[sflag:s5] =	ssyncadd.s32 $0xFFFF8000  }
0xf5: {  	[tilespmem:s4], [sflag:$0x1] =	stream.linear.gather [hbm4b:s25+s2], $0x8000, $0x38;
	[tilespmem:$0x10000] =	vst v63  }
0xf6: {  	_ =	swait.ge [sflag:s3], $0x8000  }
0xf7: {  	[sflag:s3] =	ssyncset.done $0x0  }
0xf8: {  	[sflag:s3] =	ssyncadd.s32 $0xFFFF8000  }
0xf9: {  	[hbm4b:s26+s2] =	stream.linear.scatter [tilespmem:s4], [sflag:$0x2], $0x8000, $0x38;
	[tilespmem:$0x10000] =	vst v63  }
0xfa: {  	_ =	swait.ge [sflag:s5], $0x8000  }
0xfb: {  	[sflag:s5] =	ssyncset.done $0x0  }
0xfc: {  	[sflag:s5] =	ssyncadd.s32 $0xFFFF8000  }
0xfd: {  	[tilespmem:s2], [sflag:$0x1] =	stream.linear.gather [hbm4b:s28+s2], $0x8000, $0x38;
	[tilespmem:$0x10000] =	vst v63  }
0xfe: {  	_ =	swait.ge [sflag:s3], $0x8000  }
0xff: {  	[sflag:s3] =	ssyncset.done $0x0  }
0x100: {  	[sflag:s3] =	ssyncadd.s32 $0xFFFF8000  }
0x101: {  	[hbm4b:s29+s2] =	stream.linear.scatter [tilespmem:s2], [sflag:$0x2], $0x8000, $0x38;
	[tilespmem:$0x10000] =	vst v63  }
0x102: {  	_ =	swait.ge [sflag:s5], $0x8000  }
0x103: {  	[sflag:s5] =	ssyncset.done $0x0  }
0x104: {  	[sflag:s5] =	ssyncadd.s32 $0xFFFF8000  }
0x105: {  	[tilespmem:s4], [sflag:$0x1] =	stream.linear.gather [hbm4b:s30+s2], $0x8000, $0x38;
	[tilespmem:$0x10000] =	vst v63  }
0x106: {  	_ =	swait.ge [sflag:s3], $0x8000  }
0x107: {  	[sflag:s3] =	ssyncset.done $0x0  }
0x108: {  	p0 =	sne.s32 s0, $0x1;
	[sflag:s3] =	ssyncadd.s32 $0xFFFF8000  }
0x109: {  	[hbm4b:s31+s2] =	stream.linear.scatter [tilespmem:s4], [sflag:$0x2], $0x8000, $0x38;
	[tilespmem:$0x10000] =	vst v63  }
.Ltmp1:
0x10a: {  	_ =	swait.ge [sflag:s5], $0x8000;
	(pc) =	sbr.rel @p0 .LBB2_1-.Ltmp1, $4  }
0x10b: {  	[sflag:s5] =	ssyncset.done $0x0  }
0x10c: {  	[sflag:s5] =	ssyncadd.s32 $0xFFFF8000  }
0x10d: {  	_ =	swait.ge [sflag:s5], $0x8000  }
0x10e: {  	s0 =	sadd.s32 $0xFFFFFFFF, s0;
	[sflag:s5] =	ssyncset.done $0x0  }
.LBB2_2:
0x10f: {  	[sflag:s5] =	ssyncadd.s32 $0xFFFF8000  }
0x110: {  	_ =	sfence.sel $0x180000  }
0x111: {  	[bflag:$0x0] =	sbarrier.arrive $0xFFFF  }
0x112: {  	_ =	strace $0x90000047  }
0x113: {  	s0 =	stileid.u32;
	[bflag:$0x2] =	sbarrier.arrive $0xFFFF  }
0x114: {  	p0 =	sne.s32 s0, $0x0;
	s0 =	rddreg [dreg:$0x2]  }
0x115: {  	s0 =	sadd.s32 @!p0 $0x100000, s0  }
0x116: {  	[sflag:s0] =	ssyncadd.tile.s32 @!p0 $0x1;
	_ =	shalt  }
.Lfunc_end2:
_tile_overlayer_lowered:
.L_overlay_start_2:
0x117: {  	(tag) =	ssettag $0x2  }
0x118: {  	s0 =	rddreg [dreg:$0x0];
	s2 =	stileid.u32  }
0x119: {  	s1 =	rddreg [dreg:$0x1];
	p0 =	sne.s32 s2, $0x0  }
0x11a: {  	s3 =	rddreg [dreg:$0x2];
	[bflag:$0x3] =	sbarrier.arrive $0xFFFF;
	s2 =	simm.s32 @!p0 $0x1C03  }
0x11b: {  	[timem:s3], [sflag:s2] =	dma.local @!p0 [hbm:s0], s1  }
0x11c: {  	s0 =	simm.s32 @!p0 $0x3  }
0x11d: {  	_ =	swait.ge @!p0 [sflag:s0], s1  }
0x11e: {  	s1 =	ssub.s32 @!p0 $0x0, s1;
	[sflag:s0] =	ssyncset.done @!p0 $0x0  }
0x11f: {  	[sflag:s0] =	ssyncadd.s32 @!p0 s1  }
0x120: {  	[bflag:$0x3] =	sbarrier.arrive $0xFFFF  }
0x121: {  	_ =	shalt  }

</sc_bundles>
